<compile_context>
chip_gen: v7x
topology: tpu7x:2x2x1
jax: 0.10.2.dev20260603
libtpu: 0.0.44.dev20260713+nightly
codegen_flags: <defaults>
</compile_context>

<pallas_src>
import functools

import jax
import jax.numpy as jnp
from jax import lax
from jax.experimental import pallas as pl
from jax.experimental.pallas import tpu as pltpu
from jax.experimental.pallas import tpu_sc as plsc

VOCAB = 1000
D = 768
E = 64
HID = 2 * D
S = 2048
T = 64
NBLK = (E - 1) + -(-(S - (E - 1)) // T)
NBLK_PAD = 128
NPAD = NBLK * T
DXA = D + 128

_NC = 2
_NS = 16
_NW = _NC * _NS


def _route_body(h_ref, gw_ref, gb_ref, hp_ref, dst_ref, eb_ref, na_ref):
    h = h_ref[...]
    logits = jnp.dot(h, gw_ref[...], preferred_element_type=jnp.float32)
    logits = logits + gb_ref[...]
    m = jnp.max(logits, axis=-1, keepdims=True)
    p = 1.0 / jnp.sum(jnp.exp(logits - m), axis=-1, keepdims=True)
    hp_ref[...] = jnp.concatenate(
        [h, jnp.broadcast_to(p, (S, DXA - D))], axis=1)
    e_iota = lax.broadcasted_iota(jnp.int32, (S, E), 1)
    eid = jnp.min(jnp.where(logits >= m, e_iota, E), axis=-1, keepdims=True)
    onehot = (e_iota == eid).astype(jnp.float32)

    ch = 128
    nch = S // ch
    oh3 = onehot.reshape(nch, ch, E)
    tri = (lax.broadcasted_iota(jnp.int32, (ch, ch), 0) >=
           lax.broadcasted_iota(jnp.int32, (ch, ch), 1)).astype(jnp.float32)
    ranks = []
    prefix = jnp.zeros((1, E), jnp.float32)
    for i in range(nch):
        ohi = oh3[i]
        within = jnp.dot(tri, ohi, preferred_element_type=jnp.float32)
        ranks.append(jnp.sum(ohi * (within + prefix), axis=-1,
                             keepdims=True))
        prefix = prefix + within[ch - 1 : ch, :]
    counts = prefix.astype(jnp.int32)
    rank = jnp.concatenate(ranks, axis=0) - 1.0

    nblk = (counts + (T - 1)) // T
    ci = nblk
    k = 1
    while k < E:
        ci = ci + jnp.concatenate(
            [jnp.zeros((1, k), jnp.int32), ci[:, : E - k]], axis=1)
        k *= 2
    pbase = (ci - nblk) * T
    dstf = jnp.sum(onehot * pbase.astype(jnp.float32), axis=-1,
                   keepdims=True) + rank
    dst_ref[...] = dstf.astype(jnp.int32)

    total = ci[:, E - 1 : E]
    na_ref[...] = total
    b_iota = lax.broadcasted_iota(jnp.int32, (NBLK_PAD, E), 0)
    cib = jnp.broadcast_to(ci, (NBLK_PAD, E))
    eb_raw = jnp.sum((cib <= b_iota).astype(jnp.int32), axis=-1,
                     keepdims=True)
    eb_last = jnp.sum((ci <= (total - 1)).astype(jnp.int32), axis=-1,
                      keepdims=True)
    active = b_iota[:, :1] < total
    eb_ref[...] = jnp.where(active, eb_raw,
                            jnp.broadcast_to(eb_last, (NBLK_PAD, 1)))


def _route(h, gate_w, gate_b, interpret=False):
    return pl.pallas_call(
        _route_body,
        out_shape=(
            jax.ShapeDtypeStruct((S, DXA), jnp.float32),
            jax.ShapeDtypeStruct((S, 1), jnp.int32),
            jax.ShapeDtypeStruct((NBLK_PAD, 1), jnp.int32),
            jax.ShapeDtypeStruct((1, 1), jnp.int32),
        ),
        interpret=interpret,
    )(h, gate_w, gate_b)


_VPAD = 1024


def _ffn_body(eb_ref, na_ref, x_ref, w1_ref, b1_ref, w2_ref, b2_ref,
              g_ref, bb_ref, hw_ref, hb_ref, o_ref):
    b = pl.program_id(0)

    @pl.when(b < na_ref[0])
    def _():
        a = jnp.dot(x_ref[:, :D], w1_ref[0],
                    preferred_element_type=jnp.float32) + b1_ref[0]
        a = jnp.maximum(a, 0.0)
        y = jnp.dot(a, w2_ref[0],
                    preferred_element_type=jnp.float32) + b2_ref[0]
        c = y * x_ref[:, D : D + 1]
        mu = jnp.mean(c, axis=-1, keepdims=True)
        d0 = c - mu
        var = jnp.mean(d0 * d0, axis=-1, keepdims=True)
        o = d0 * lax.rsqrt(var + 1e-5) * g_ref[...] + bb_ref[...]
        o_ref[...] = jnp.dot(o, hw_ref[...],
                             preferred_element_type=jnp.float32) + hb_ref[...]


def _ffn(ebv, nactv, xp, w1, b1r, w2, b2r, ln_g, ln_b, hw_pad, hb_pad,
         interpret=False):
    grid_spec = pltpu.PrefetchScalarGridSpec(
        num_scalar_prefetch=2,
        grid=(NBLK,),
        in_specs=[
            pl.BlockSpec((T, DXA),
                         lambda b, eb, na: (jnp.minimum(b, na[0] - 1), 0)),
            pl.BlockSpec((1, D, HID), lambda b, eb, na: (eb[b], 0, 0)),
            pl.BlockSpec((1, 1, HID), lambda b, eb, na: (eb[b], 0, 0)),
            pl.BlockSpec((1, HID, D), lambda b, eb, na: (eb[b], 0, 0)),
            pl.BlockSpec((1, 1, D), lambda b, eb, na: (eb[b], 0, 0)),
            pl.BlockSpec((1, D), lambda b, eb, na: (0, 0)),
            pl.BlockSpec((1, D), lambda b, eb, na: (0, 0)),
            pl.BlockSpec((D, _VPAD), lambda b, eb, na: (0, 0)),
            pl.BlockSpec((1, _VPAD), lambda b, eb, na: (0, 0)),
        ],
        out_specs=pl.BlockSpec(
            (T, _VPAD), lambda b, eb, na: (jnp.minimum(b, na[0] - 1), 0)),
    )
    return pl.pallas_call(
        _ffn_body,
        grid_spec=grid_spec,
        out_shape=jax.ShapeDtypeStruct((NPAD, _VPAD), jnp.float32),
        compiler_params=pltpu.CompilerParams(
            dimension_semantics=("arbitrary",)),
        interpret=interpret,
    )(ebv, nactv, xp, w1, b1r, w2, b2r, ln_g, ln_b, hw_pad, hb_pad)


def _sc_mesh():
    return plsc.VectorSubcoreMesh(core_axis_name="c", subcore_axis_name="s")


def _make_row_gather(n_out, d):
    per_w = n_out // _NW

    @functools.partial(
        pl.kernel, mesh=_sc_mesh(),
        out_type=jax.ShapeDtypeStruct((n_out, d), jnp.float32),
        scratch_types=[
            pltpu.VMEM((per_w,), jnp.int32),
            pltpu.VMEM((per_w, d), jnp.float32),
            pltpu.SemaphoreType.DMA,
        ],
    )
    def k(idx_hbm, table_hbm, out_hbm, idx_v, rows_v, sem):
        wid = lax.axis_index("s") * _NC + lax.axis_index("c")
        base = wid * per_w
        pltpu.sync_copy(idx_hbm.at[pl.ds(base, per_w)], idx_v)
        pltpu.async_copy(table_hbm.at[idx_v], rows_v, sem).wait()
        pltpu.sync_copy(rows_v, out_hbm.at[pl.ds(base, per_w)])

    return k


def _make_row_scatter(n_src, n_out, d):
    per_w = n_src // _NW

    @functools.partial(
        pl.kernel, mesh=_sc_mesh(),
        out_type=jax.ShapeDtypeStruct((n_out, d), jnp.float32),
        scratch_types=[
            pltpu.VMEM((per_w,), jnp.int32),
            pltpu.VMEM((per_w, d), jnp.float32),
            pltpu.SemaphoreType.DMA,
        ],
    )
    def k(idx_hbm, src_hbm, out_hbm, idx_v, rows_v, sem):
        wid = lax.axis_index("s") * _NC + lax.axis_index("c")
        base = wid * per_w
        pltpu.sync_copy(idx_hbm.at[pl.ds(base, per_w)], idx_v)
        pltpu.sync_copy(src_hbm.at[pl.ds(base, per_w)], rows_v)
        pltpu.async_copy(rows_v, out_hbm.at[idx_v], sem).wait()

    return k


def kernel(x, embed, gate_w, gate_b, w1, b1, w2, b2, ln_g, ln_b, head_w,
           head_b):
    xf = x.reshape(S).astype(jnp.int32)
    h = _make_row_gather(S, D)(xf, embed)

    hp, dst, eb, nact = _route(h, gate_w, gate_b.reshape(1, E))
    dst1 = dst.reshape(S)

    xp = _make_row_scatter(S, NPAD, DXA)(dst1, hp)

    hw_pad = jnp.pad(head_w, ((0, 0), (0, _VPAD - VOCAB)))
    hb_pad = jnp.pad(head_b, (0, _VPAD - VOCAB)).reshape(1, _VPAD)
    lp = _ffn(eb.reshape(NBLK_PAD), nact.reshape(1), xp,
              w1, b1.reshape(E, 1, HID), w2, b2.reshape(E, 1, D),
              ln_g.reshape(1, D), ln_b.reshape(1, D), hw_pad, hb_pad)

    logits = _make_row_gather(S, _VPAD)(dst1, lp)
    return logits[:, :VOCAB]

# --- scband reference (transcript-rebuilt; emitter-appended) ---
"""Pipeline reference for scband-simple-mo-e-88682484727935 (READ-ONLY COPY).

The authoritative reference and input builder live on the scoring server;
editing this copy changes nothing except your own understanding.
"""

import jax, jax.numpy as jnp
import numpy as np

VOCAB = 1000
D = 768
E = 64
TOPK = 1
HID = 2 * D
B = 1
S = 2048


def setup_inputs(seed: int = 0) -> dict:
    key = jax.random.key(seed)
    ks = jax.random.split(key, 8)
    x = jax.random.randint(ks[0], (B, S), 0, VOCAB, dtype=jnp.int32)
    embed = jax.random.normal(ks[1], (VOCAB, D), dtype=jnp.float32) * 0.02
    gate_w = jax.random.normal(ks[2], (D, E), dtype=jnp.float32) * 0.02
    gate_b = jnp.zeros((E,), dtype=jnp.float32)
    w1 = jax.random.normal(ks[3], (E, D, HID), dtype=jnp.float32) * 0.02
    b1 = jnp.zeros((E, HID), dtype=jnp.float32)
    w2 = jax.random.normal(ks[4], (E, HID, D), dtype=jnp.float32) * 0.02
    b2 = jnp.zeros((E, D), dtype=jnp.float32)
    ln_g = jnp.ones((D,), dtype=jnp.float32)
    ln_b = jnp.zeros((D,), dtype=jnp.float32)
    head_w = jax.random.normal(ks[5], (D, VOCAB), dtype=jnp.float32) * 0.02
    head_b = jnp.zeros((VOCAB,), dtype=jnp.float32)
    return {"x": x, "embed": embed, "gate_w": gate_w, "gate_b": gate_b,
            "w1": w1, "b1": b1, "w2": w2, "b2": b2,
            "ln_g": ln_g, "ln_b": ln_b, "head_w": head_w, "head_b": head_b}


def reference(x, embed, gate_w, gate_b, w1, b1, w2, b2, ln_g, ln_b, head_w, head_b):
    # forward_pre: embedding lookup + gate softmax + top-k routing
    h = jnp.take(embed, x, axis=0)                      # [B, S, D]
    gate_logits = h @ gate_w + gate_b                   # [B, S, E]
    probs = jax.nn.softmax(gate_logits, axis=-1)
    topk_vals, topk_idx = jax.lax.top_k(probs, TOPK)    # [B, S, TOPK]

    hf = h.reshape(-1, D)                               # [T, D]
    tv = topk_vals.reshape(-1, TOPK)
    ti = topk_idx.reshape(-1, TOPK)

    # dispatch: forward_single_expert per expert on its assigned tokens, weighted-combine
    combined = jnp.zeros_like(hf)
    for k in range(TOPK):
        for e in range(E):
            y = jnp.maximum(hf @ w1[e] + b1[e], 0.0) @ w2[e] + b2[e]
            w = jnp.where(ti[:, k] == e, tv[:, k], 0.0)[:, None]
            combined = combined + w * y

    # forward_post: LayerNorm + head
    mu = jnp.mean(combined, axis=-1, keepdims=True)
    var = jnp.var(combined, axis=-1, keepdims=True)
    out = (combined - mu) / jnp.sqrt(var + 1e-5) * ln_g + ln_b
    logits = out @ head_w + head_b                      # [T, VOCAB]
    return logits.reshape(-1, VOCAB)

if __name__ == "__main__":
    import jax
    _d = setup_inputs()
    print(jax.jit(kernel)(*tuple(_d.values())))

</pallas_src>

<mosaic_0001>
#map = affine_map<(d0, d1) -> (0)>
#map1 = affine_map<(d0, d1) -> (0, 0)>
module attributes {stable_mosaic.version = 14 : i64} {
  func.func @k(%arg0: i32, %arg1: i32, %arg2: memref<2048xi32, #tpu.memory_space<hbm>>, %arg3: memref<2048x896xf32, #tpu.memory_space<hbm>>, %arg4: memref<6080x896xf32, #tpu.memory_space<hbm>>, %arg5: memref<64xi32, #tpu.memory_space<vmem>>, %arg6: memref<64x896xf32, #tpu.memory_space<vmem>>, %arg7: memref<!tpu.dma_semaphore, #tpu.memory_space<semaphore_mem>>) attributes {dimension_semantics = [#tpu.dimension_semantics<core_parallel>, #tpu.dimension_semantics<subcore_parallel>], iteration_bounds = array<i64: 2, 16>, scalar_prefetch = 0 : i64, scratch_operands = 3 : i64, tpu.core_type = #tpu.core_type<sc_vector_subcore>, window_params = [{transform_indices = #map}, {transform_indices = #map1}, {transform_indices = #map1}]} {
    %mul3A = arith.constant 2 : i32
    %mul3A_0 = arith.muli %arg1, %mul3A : i32
    %add3A = arith.addi %mul3A_0, %arg0 : i32
    %mul3A_1 = arith.constant 64 : i32
    %mul3A_2 = arith.muli %add3A, %mul3A_1 : i32
    "tpu.region"() ({
      %run_scoped3A = tpu.sem_alloc : memref<!tpu.dma_semaphore, #tpu.memory_space<semaphore_mem>>
      %dma_start3A_7 = tpu.memref_slice %arg2[%mul3A_2] : memref<2048xi32, #tpu.memory_space<hbm>> -> memref<64xi32, #tpu.memory_space<hbm>>
      %dma_start3A_8 = tpu.memref_slice %arg2[%mul3A_2] : memref<2048xi32, #tpu.memory_space<hbm>> -> memref<64xi32, #tpu.memory_space<hbm>>
      tpu.enqueue_dma source(%dma_start3A_8 : memref<64xi32, #tpu.memory_space<hbm>>) target(%arg5 : memref<64xi32, #tpu.memory_space<vmem>>) target_semaphore(%run_scoped3A : memref<!tpu.dma_semaphore, #tpu.memory_space<semaphore_mem>>)
      %dma_wait3A_9 = tpu.memref_slice %arg2[%mul3A_2] : memref<2048xi32, #tpu.memory_space<hbm>> -> memref<64xi32, #tpu.memory_space<hbm>>
      %dma_wait3A_10 = tpu.memref_slice %arg2[%mul3A_2] : memref<2048xi32, #tpu.memory_space<hbm>> -> memref<64xi32, #tpu.memory_space<hbm>>
      tpu.wait_dma2 semaphore(%run_scoped3A : memref<!tpu.dma_semaphore, #tpu.memory_space<semaphore_mem>>) src(%dma_wait3A_10 : memref<64xi32, #tpu.memory_space<hbm>>) dst(%arg5 : memref<64xi32, #tpu.memory_space<vmem>>)
      tpu.yield
    }) : () -> ()
    "tpu.region"() ({
      %run_scoped3A = tpu.sem_alloc : memref<!tpu.dma_semaphore, #tpu.memory_space<semaphore_mem>>
      %dma_start3A_7 = arith.constant 0 : i32
      %dma_start3A_8 = tpu.memref_slice %arg3[%mul3A_2, %dma_start3A_7] : memref<2048x896xf32, #tpu.memory_space<hbm>> -> memref<64x896xf32, #tpu.memory_space<hbm>>
      %dma_start3A_9 = arith.constant 0 : i32
      %dma_start3A_10 = tpu.memref_slice %arg3[%mul3A_2, %dma_start3A_9] : memref<2048x896xf32, #tpu.memory_space<hbm>> -> memref<64x896xf32, #tpu.memory_space<hbm>>
      tpu.enqueue_dma source(%dma_start3A_10 : memref<64x896xf32, #tpu.memory_space<hbm>>) target(%arg6 : memref<64x896xf32, #tpu.memory_space<vmem>>) target_semaphore(%run_scoped3A : memref<!tpu.dma_semaphore, #tpu.memory_space<semaphore_mem>>)
      %dma_wait3A_11 = arith.constant 0 : i32
      %dma_wait3A_12 = tpu.memref_slice %arg3[%mul3A_2, %dma_wait3A_11] : memref<2048x896xf32, #tpu.memory_space<hbm>> -> memref<64x896xf32, #tpu.memory_space<hbm>>
      %dma_wait3A_13 = arith.constant 0 : i32
      %dma_wait3A_14 = tpu.memref_slice %arg3[%mul3A_2, %dma_wait3A_13] : memref<2048x896xf32, #tpu.memory_space<hbm>> -> memref<64x896xf32, #tpu.memory_space<hbm>>
      tpu.wait_dma2 semaphore(%run_scoped3A : memref<!tpu.dma_semaphore, #tpu.memory_space<semaphore_mem>>) src(%dma_wait3A_14 : memref<64x896xf32, #tpu.memory_space<hbm>>) dst(%arg6 : memref<64x896xf32, #tpu.memory_space<vmem>>)
      tpu.yield
    }) : () -> ()
    %dma_start3A = arith.constant 0 : i32
    %dma_start3A_3 = arith.constant 0 : i32
    %dma_start3A_4 = tpu.memref_slice %arg4[%dma_start3A, %dma_start3A_3] : memref<6080x896xf32, #tpu.memory_space<hbm>> -> memref<6080x896xf32, #tpu.memory_space<hbm>>
    tpu.enqueue_indirect_dma source(%arg6 : memref<64x896xf32, #tpu.memory_space<vmem>>) target(%dma_start3A_4 : memref<6080x896xf32, #tpu.memory_space<hbm>>) offsets(%arg5 : memref<64xi32, #tpu.memory_space<vmem>>) semaphore(%arg7 : memref<!tpu.dma_semaphore, #tpu.memory_space<semaphore_mem>>)
    %dma_wait3A = arith.constant 0 : i32
    %dma_wait3A_5 = arith.constant 0 : i32
    %dma_wait3A_6 = tpu.memref_slice %arg4[%dma_wait3A, %dma_wait3A_5] : memref<6080x896xf32, #tpu.memory_space<hbm>> -> memref<6080x896xf32, #tpu.memory_space<hbm>>
    tpu.wait_indirect_dma semaphore(%arg7 : memref<!tpu.dma_semaphore, #tpu.memory_space<semaphore_mem>>) src(%arg6 : memref<64x896xf32, #tpu.memory_space<vmem>>) dst(%dma_wait3A_6 : memref<6080x896xf32, #tpu.memory_space<hbm>>)
    return
  }
}

#map = affine_map<(d0, d1) -> (0)>
#map1 = affine_map<(d0, d1) -> (0, 0)>
module attributes {stable_mosaic.version = 14 : i64} {
  func.func @k(%arg0: i32, %arg1: i32, %arg2: memref<2048xi32, #tpu.memory_space<hbm>>, %arg3: memref<1000x768xf32, #tpu.memory_space<hbm>>, %arg4: memref<2048x768xf32, #tpu.memory_space<hbm>>, %arg5: memref<64xi32, #tpu.memory_space<vmem>>, %arg6: memref<64x768xf32, #tpu.memory_space<vmem>>, %arg7: memref<!tpu.dma_semaphore, #tpu.memory_space<semaphore_mem>>) attributes {dimension_semantics = [#tpu.dimension_semantics<core_parallel>, #tpu.dimension_semantics<subcore_parallel>], iteration_bounds = array<i64: 2, 16>, scalar_prefetch = 0 : i64, scratch_operands = 3 : i64, tpu.core_type = #tpu.core_type<sc_vector_subcore>, window_params = [{transform_indices = #map}, {transform_indices = #map1}, {transform_indices = #map1}]} {
    %mul3A = arith.constant 2 : i32
    %mul3A_0 = arith.muli %arg1, %mul3A : i32
    %add3A = arith.addi %mul3A_0, %arg0 : i32
    %mul3A_1 = arith.constant 64 : i32
    %mul3A_2 = arith.muli %add3A, %mul3A_1 : i32
    "tpu.region"() ({
      %run_scoped3A = tpu.sem_alloc : memref<!tpu.dma_semaphore, #tpu.memory_space<semaphore_mem>>
      %dma_start3A_7 = tpu.memref_slice %arg2[%mul3A_2] : memref<2048xi32, #tpu.memory_space<hbm>> -> memref<64xi32, #tpu.memory_space<hbm>>
      %dma_start3A_8 = tpu.memref_slice %arg2[%mul3A_2] : memref<2048xi32, #tpu.memory_space<hbm>> -> memref<64xi32, #tpu.memory_space<hbm>>
      tpu.enqueue_dma source(%dma_start3A_8 : memref<64xi32, #tpu.memory_space<hbm>>) target(%arg5 : memref<64xi32, #tpu.memory_space<vmem>>) target_semaphore(%run_scoped3A : memref<!tpu.dma_semaphore, #tpu.memory_space<semaphore_mem>>)
      %dma_wait3A_9 = tpu.memref_slice %arg2[%mul3A_2] : memref<2048xi32, #tpu.memory_space<hbm>> -> memref<64xi32, #tpu.memory_space<hbm>>
      %dma_wait3A_10 = tpu.memref_slice %arg2[%mul3A_2] : memref<2048xi32, #tpu.memory_space<hbm>> -> memref<64xi32, #tpu.memory_space<hbm>>
      tpu.wait_dma2 semaphore(%run_scoped3A : memref<!tpu.dma_semaphore, #tpu.memory_space<semaphore_mem>>) src(%dma_wait3A_10 : memref<64xi32, #tpu.memory_space<hbm>>) dst(%arg5 : memref<64xi32, #tpu.memory_space<vmem>>)
      tpu.yield
    }) : () -> ()
    %dma_start3A = arith.constant 0 : i32
    %dma_start3A_3 = arith.constant 0 : i32
    %dma_start3A_4 = tpu.memref_slice %arg3[%dma_start3A, %dma_start3A_3] : memref<1000x768xf32, #tpu.memory_space<hbm>> -> memref<1000x768xf32, #tpu.memory_space<hbm>>
    tpu.enqueue_indirect_dma source(%dma_start3A_4 : memref<1000x768xf32, #tpu.memory_space<hbm>>) target(%arg6 : memref<64x768xf32, #tpu.memory_space<vmem>>) offsets(%arg5 : memref<64xi32, #tpu.memory_space<vmem>>) semaphore(%arg7 : memref<!tpu.dma_semaphore, #tpu.memory_space<semaphore_mem>>)
    %dma_wait3A = arith.constant 0 : i32
    %dma_wait3A_5 = arith.constant 0 : i32
    %dma_wait3A_6 = tpu.memref_slice %arg3[%dma_wait3A, %dma_wait3A_5] : memref<1000x768xf32, #tpu.memory_space<hbm>> -> memref<1000x768xf32, #tpu.memory_space<hbm>>
    tpu.wait_indirect_dma semaphore(%arg7 : memref<!tpu.dma_semaphore, #tpu.memory_space<semaphore_mem>>) src(%dma_wait3A_6 : memref<1000x768xf32, #tpu.memory_space<hbm>>) dst(%arg6 : memref<64x768xf32, #tpu.memory_space<vmem>>)
    "tpu.region"() ({
      %run_scoped3A = tpu.sem_alloc : memref<!tpu.dma_semaphore, #tpu.memory_space<semaphore_mem>>
      %dma_start3A_7 = arith.constant 0 : i32
      %dma_start3A_8 = tpu.memref_slice %arg4[%mul3A_2, %dma_start3A_7] : memref<2048x768xf32, #tpu.memory_space<hbm>> -> memref<64x768xf32, #tpu.memory_space<hbm>>
      %dma_start3A_9 = arith.constant 0 : i32
      %dma_start3A_10 = tpu.memref_slice %arg4[%mul3A_2, %dma_start3A_9] : memref<2048x768xf32, #tpu.memory_space<hbm>> -> memref<64x768xf32, #tpu.memory_space<hbm>>
      tpu.enqueue_dma source(%arg6 : memref<64x768xf32, #tpu.memory_space<vmem>>) target(%dma_start3A_10 : memref<64x768xf32, #tpu.memory_space<hbm>>) target_semaphore(%run_scoped3A : memref<!tpu.dma_semaphore, #tpu.memory_space<semaphore_mem>>)
      %dma_wait3A_11 = arith.constant 0 : i32
      %dma_wait3A_12 = tpu.memref_slice %arg4[%mul3A_2, %dma_wait3A_11] : memref<2048x768xf32, #tpu.memory_space<hbm>> -> memref<64x768xf32, #tpu.memory_space<hbm>>
      %dma_wait3A_13 = arith.constant 0 : i32
      %dma_wait3A_14 = tpu.memref_slice %arg4[%mul3A_2, %dma_wait3A_13] : memref<2048x768xf32, #tpu.memory_space<hbm>> -> memref<64x768xf32, #tpu.memory_space<hbm>>
      tpu.wait_dma2 semaphore(%run_scoped3A : memref<!tpu.dma_semaphore, #tpu.memory_space<semaphore_mem>>) src(%arg6 : memref<64x768xf32, #tpu.memory_space<vmem>>) dst(%dma_wait3A_14 : memref<64x768xf32, #tpu.memory_space<hbm>>)
      tpu.yield
    }) : () -> ()
    return
  }
}

#map = affine_map<(d0, d1) -> (0)>
#map1 = affine_map<(d0, d1) -> (0, 0)>
module attributes {stable_mosaic.version = 14 : i64} {
  func.func @k(%arg0: i32, %arg1: i32, %arg2: memref<2048xi32, #tpu.memory_space<hbm>>, %arg3: memref<6080x1024xf32, #tpu.memory_space<hbm>>, %arg4: memref<2048x1024xf32, #tpu.memory_space<hbm>>, %arg5: memref<64xi32, #tpu.memory_space<vmem>>, %arg6: memref<64x1024xf32, #tpu.memory_space<vmem>>, %arg7: memref<!tpu.dma_semaphore, #tpu.memory_space<semaphore_mem>>) attributes {dimension_semantics = [#tpu.dimension_semantics<core_parallel>, #tpu.dimension_semantics<subcore_parallel>], iteration_bounds = array<i64: 2, 16>, scalar_prefetch = 0 : i64, scratch_operands = 3 : i64, tpu.core_type = #tpu.core_type<sc_vector_subcore>, window_params = [{transform_indices = #map}, {transform_indices = #map1}, {transform_indices = #map1}]} {
    %mul3A = arith.constant 2 : i32
    %mul3A_0 = arith.muli %arg1, %mul3A : i32
    %add3A = arith.addi %mul3A_0, %arg0 : i32
    %mul3A_1 = arith.constant 64 : i32
    %mul3A_2 = arith.muli %add3A, %mul3A_1 : i32
    "tpu.region"() ({
      %run_scoped3A = tpu.sem_alloc : memref<!tpu.dma_semaphore, #tpu.memory_space<semaphore_mem>>
      %dma_start3A_7 = tpu.memref_slice %arg2[%mul3A_2] : memref<2048xi32, #tpu.memory_space<hbm>> -> memref<64xi32, #tpu.memory_space<hbm>>
      %dma_start3A_8 = tpu.memref_slice %arg2[%mul3A_2] : memref<2048xi32, #tpu.memory_space<hbm>> -> memref<64xi32, #tpu.memory_space<hbm>>
      tpu.enqueue_dma source(%dma_start3A_8 : memref<64xi32, #tpu.memory_space<hbm>>) target(%arg5 : memref<64xi32, #tpu.memory_space<vmem>>) target_semaphore(%run_scoped3A : memref<!tpu.dma_semaphore, #tpu.memory_space<semaphore_mem>>)
      %dma_wait3A_9 = tpu.memref_slice %arg2[%mul3A_2] : memref<2048xi32, #tpu.memory_space<hbm>> -> memref<64xi32, #tpu.memory_space<hbm>>
      %dma_wait3A_10 = tpu.memref_slice %arg2[%mul3A_2] : memref<2048xi32, #tpu.memory_space<hbm>> -> memref<64xi32, #tpu.memory_space<hbm>>
      tpu.wait_dma2 semaphore(%run_scoped3A : memref<!tpu.dma_semaphore, #tpu.memory_space<semaphore_mem>>) src(%dma_wait3A_10 : memref<64xi32, #tpu.memory_space<hbm>>) dst(%arg5 : memref<64xi32, #tpu.memory_space<vmem>>)
      tpu.yield
    }) : () -> ()
    %dma_start3A = arith.constant 0 : i32
    %dma_start3A_3 = arith.constant 0 : i32
    %dma_start3A_4 = tpu.memref_slice %arg3[%dma_start3A, %dma_start3A_3] : memref<6080x1024xf32, #tpu.memory_space<hbm>> -> memref<6080x1024xf32, #tpu.memory_space<hbm>>
    tpu.enqueue_indirect_dma source(%dma_start3A_4 : memref<6080x1024xf32, #tpu.memory_space<hbm>>) target(%arg6 : memref<64x1024xf32, #tpu.memory_space<vmem>>) offsets(%arg5 : memref<64xi32, #tpu.memory_space<vmem>>) semaphore(%arg7 : memref<!tpu.dma_semaphore, #tpu.memory_space<semaphore_mem>>)
    %dma_wait3A = arith.constant 0 : i32
    %dma_wait3A_5 = arith.constant 0 : i32
    %dma_wait3A_6 = tpu.memref_slice %arg3[%dma_wait3A, %dma_wait3A_5] : memref<6080x1024xf32, #tpu.memory_space<hbm>> -> memref<6080x1024xf32, #tpu.memory_space<hbm>>
    tpu.wait_indirect_dma semaphore(%arg7 : memref<!tpu.dma_semaphore, #tpu.memory_space<semaphore_mem>>) src(%dma_wait3A_6 : memref<6080x1024xf32, #tpu.memory_space<hbm>>) dst(%arg6 : memref<64x1024xf32, #tpu.memory_space<vmem>>)
    "tpu.region"() ({
      %run_scoped3A = tpu.sem_alloc : memref<!tpu.dma_semaphore, #tpu.memory_space<semaphore_mem>>
      %dma_start3A_7 = arith.constant 0 : i32
      %dma_start3A_8 = tpu.memref_slice %arg4[%mul3A_2, %dma_start3A_7] : memref<2048x1024xf32, #tpu.memory_space<hbm>> -> memref<64x1024xf32, #tpu.memory_space<hbm>>
      %dma_start3A_9 = arith.constant 0 : i32
      %dma_start3A_10 = tpu.memref_slice %arg4[%mul3A_2, %dma_start3A_9] : memref<2048x1024xf32, #tpu.memory_space<hbm>> -> memref<64x1024xf32, #tpu.memory_space<hbm>>
      tpu.enqueue_dma source(%arg6 : memref<64x1024xf32, #tpu.memory_space<vmem>>) target(%dma_start3A_10 : memref<64x1024xf32, #tpu.memory_space<hbm>>) target_semaphore(%run_scoped3A : memref<!tpu.dma_semaphore, #tpu.memory_space<semaphore_mem>>)
      %dma_wait3A_11 = arith.constant 0 : i32
      %dma_wait3A_12 = tpu.memref_slice %arg4[%mul3A_2, %dma_wait3A_11] : memref<2048x1024xf32, #tpu.memory_space<hbm>> -> memref<64x1024xf32, #tpu.memory_space<hbm>>
      %dma_wait3A_13 = arith.constant 0 : i32
      %dma_wait3A_14 = tpu.memref_slice %arg4[%mul3A_2, %dma_wait3A_13] : memref<2048x1024xf32, #tpu.memory_space<hbm>> -> memref<64x1024xf32, #tpu.memory_space<hbm>>
      tpu.wait_dma2 semaphore(%run_scoped3A : memref<!tpu.dma_semaphore, #tpu.memory_space<semaphore_mem>>) src(%arg6 : memref<64x1024xf32, #tpu.memory_space<vmem>>) dst(%dma_wait3A_14 : memref<64x1024xf32, #tpu.memory_space<hbm>>)
      tpu.yield
    }) : () -> ()
    return
  }
}

module attributes {stable_mosaic.version = 14 : i64} {
  func.func @_route_body(%arg0: memref<2048x768xf32, #tpu.memory_space<vmem>>, %arg1: memref<768x64xf32, #tpu.memory_space<vmem>>, %arg2: memref<1x64xf32, #tpu.memory_space<vmem>>, %arg3: memref<2048x896xf32, #tpu.memory_space<vmem>>, %arg4: memref<2048x1xi32, #tpu.memory_space<vmem>>, %arg5: memref<128x1xi32, #tpu.memory_space<vmem>>, %arg6: memref<1x1xi32, #tpu.memory_space<vmem>>) attributes {dimension_semantics = [], scalar_prefetch = 0 : i64, scratch_operands = 0 : i64, tpu.core_type = #tpu.core_type<tc>} {
    %get3A = arith.constant 0 : index
    %get3A_0 = arith.constant 0 : index
    %get3A_1 = vector.load %arg0[%get3A, %get3A_0] : memref<2048x768xf32, #tpu.memory_space<vmem>>, vector<2048x768xf32>
    %get3A_2 = arith.constant 0 : index
    %get3A_3 = arith.constant 0 : index
    %get3A_4 = vector.load %arg1[%get3A_2, %get3A_3] : memref<768x64xf32, #tpu.memory_space<vmem>>, vector<768x64xf32>
    %dot_general3A = arith.constant dense<0.000000e+00> : vector<2048x64xf32>
    %dot_general3A_5 = tpu.matmul %get3A_1, %get3A_4, %dot_general3A {dimension_numbers = #tpu.dot_dimension_numbers<[1], [0], [0], [1], [0, 0, 1, 1], [], []>, transpose_lhs_hint = false} : vector<2048x768xf32>, vector<768x64xf32>, vector<2048x64xf32> -> vector<2048x64xf32>
    %get3A_6 = arith.constant 0 : index
    %get3A_7 = arith.constant 0 : index
    %get3A_8 = vector.load %arg2[%get3A_6, %get3A_7] : memref<1x64xf32, #tpu.memory_space<vmem>>, vector<1x64xf32>
    %add3A = vector.broadcast %get3A_8 : vector<1x64xf32> to vector<2048x64xf32>
    %add3A_9 = arith.addf %dot_general3A_5, %add3A : vector<2048x64xf32>
    %reduce_max3A = arith.constant dense<0xFF800000> : vector<2048xf32>
    %reduce_max3A_10 = vector.multi_reduction <maximumf>, %add3A_9, %reduce_max3A [1] : vector<2048x64xf32> to vector<2048xf32>
    %broadcast_in_dim3A = vector.shape_cast %reduce_max3A_10 : vector<2048xf32> to vector<2048x1xf32>
    %sub3A = vector.broadcast %broadcast_in_dim3A : vector<2048x1xf32> to vector<2048x64xf32>
    %sub3A_11 = arith.subf %add3A_9, %sub3A : vector<2048x64xf32>
    %exp3A = math.exp %sub3A_11 : vector<2048x64xf32>
    %reduce_sum3A = arith.constant dense<0.000000e+00> : vector<2048xf32>
    %reduce_sum3A_12 = vector.multi_reduction <add>, %exp3A, %reduce_sum3A [1] : vector<2048x64xf32> to vector<2048xf32>
    %broadcast_in_dim3A_13 = vector.shape_cast %reduce_sum3A_12 : vector<2048xf32> to vector<2048x1xf32>
    %div3A = arith.constant 1.000000e+00 : f32
    %div3A_14 = vector.broadcast %div3A : f32 to vector<2048x1xf32>
    %div3A_15 = arith.divf %div3A_14, %broadcast_in_dim3A_13 : vector<2048x1xf32>
    %broadcast_in_dim3A_16 = vector.shape_cast %div3A_15 : vector<2048x1xf32> to vector<2048x1xf32>
    %broadcast_in_dim3A_17 = vector.broadcast %broadcast_in_dim3A_16 : vector<2048x1xf32> to vector<2048x128xf32>
    %concatenate3A = tpu.concatenate %get3A_1, %broadcast_in_dim3A_17 in 1 : vector<2048x768xf32>, vector<2048x128xf32> -> vector<2048x896xf32>
    %swap3A = arith.constant 0 : index
    %swap3A_18 = arith.constant 0 : index
    %swap3A_19 = vector.load %arg3[%swap3A, %swap3A_18] : memref<2048x896xf32, #tpu.memory_space<vmem>>, vector<2048x896xf32>
    tpu.vector_store %arg3[%swap3A, %swap3A_18], %concatenate3A {strides = array<i32>} : memref<2048x896xf32, #tpu.memory_space<vmem>>, vector<2048x896xf32>,
    %iota3A = tpu.iota {dimensions = array<i32: 1>} : vector<2048x64xi32>
    %ge3A = vector.broadcast %broadcast_in_dim3A : vector<2048x1xf32> to vector<2048x64xf32>
    %ge3A_20 = arith.cmpf oge, %add3A_9, %ge3A : vector<2048x64xf32>
    %jit3A = arith.constant 64 : i32
    %broadcast_in_dim3A_21 = vector.broadcast %jit3A : i32 to vector<2048x64xi32>
    %select_n3A = arith.select %ge3A_20, %iota3A, %broadcast_in_dim3A_21 : vector<2048x64xi1>, vector<2048x64xi32>
    %reduce_min3A = arith.constant dense<2147483647> : vector<2048xi32>
    %reduce_min3A_22 = vector.multi_reduction <minsi>, %select_n3A, %reduce_min3A [1] : vector<2048x64xi32> to vector<2048xi32>
    %broadcast_in_dim3A_23 = vector.shape_cast %reduce_min3A_22 : vector<2048xi32> to vector<2048x1xi32>
    %eq3A = vector.broadcast %broadcast_in_dim3A_23 : vector<2048x1xi32> to vector<2048x64xi32>
    %eq3A_24 = arith.cmpi eq, %iota3A, %eq3A : vector<2048x64xi32>
    %convert_element_type3A = arith.extui %eq3A_24 : vector<2048x64xi1> to vector<2048x64xi32>
    %convert_element_type3A_25 = arith.sitofp %convert_element_type3A : vector<2048x64xi32> to vector<2048x64xf32>
    %reshape3A = vector.shape_cast %convert_element_type3A_25 : vector<2048x64xf32> to vector<16x128x64xf32>
    %iota3A_26 = tpu.iota {dimensions = array<i32: 0>} : vector<128x128xi32>
    %iota3A_27 = tpu.iota {dimensions = array<i32: 1>} : vector<128x128xi32>
    %ge3A_28 = arith.cmpi sge, %iota3A_26, %iota3A_27 : vector<128x128xi32>
    %convert_element_type3A_29 = arith.extui %ge3A_28 : vector<128x128xi1> to vector<128x128xi32>
    %convert_element_type3A_30 = arith.sitofp %convert_element_type3A_29 : vector<128x128xi32> to vector<128x128xf32>
    %broadcast_in_dim3A_31 = arith.constant 0.000000e+00 : f32
    %broadcast_in_dim3A_32 = vector.broadcast %broadcast_in_dim3A_31 : f32 to vector<1x64xf32>
    %slice3A = vector.extract_strided_slice %reshape3A {offsets = [0, 0, 0], sizes = [1, 128, 64], strides = [1, 1, 1]} : vector<16x128x64xf32> to vector<1x128x64xf32>
    %squeeze3A = vector.shape_cast %slice3A : vector<1x128x64xf32> to vector<128x64xf32>
    %dot_general3A_33 = arith.constant dense<0.000000e+00> : vector<128x64xf32>
    %dot_general3A_34 = tpu.matmul %convert_element_type3A_30, %squeeze3A, %dot_general3A_33 {dimension_numbers = #tpu.dot_dimension_numbers<[1], [0], [0], [1], [0, 0, 1, 1], [], []>, transpose_lhs_hint = false} : vector<128x128xf32>, vector<128x64xf32>, vector<128x64xf32> -> vector<128x64xf32>
    %add3A_35 = vector.broadcast %broadcast_in_dim3A_32 : vector<1x64xf32> to vector<128x64xf32>
    %add3A_36 = arith.addf %dot_general3A_34, %add3A_35 : vector<128x64xf32>
    %mul3A = arith.mulf %squeeze3A, %add3A_36 : vector<128x64xf32>
    %reduce_sum3A_37 = arith.constant dense<0.000000e+00> : vector<128xf32>
    %reduce_sum3A_38 = vector.multi_reduction <add>, %mul3A, %reduce_sum3A_37 [1] : vector<128x64xf32> to vector<128xf32>
    %broadcast_in_dim3A_39 = vector.shape_cast %reduce_sum3A_38 : vector<128xf32> to vector<128x1xf32>
    %slice3A_40 = vector.extract_strided_slice %dot_general3A_34 {offsets = [127, 0], sizes = [1, 64], strides = [1, 1]} : vector<128x64xf32> to vector<1x64xf32>
    %add3A_41 = arith.addf %broadcast_in_dim3A_32, %slice3A_40 : vector<1x64xf32>
    %slice3A_42 = vector.extract_strided_slice %reshape3A {offsets = [1, 0, 0], sizes = [1, 128, 64], strides = [1, 1, 1]} : vector<16x128x64xf32> to vector<1x128x64xf32>
    %squeeze3A_43 = vector.shape_cast %slice3A_42 : vector<1x128x64xf32> to vector<128x64xf32>
    %dot_general3A_44 = arith.constant dense<0.000000e+00> : vector<128x64xf32>
    %dot_general3A_45 = tpu.matmul %convert_element_type3A_30, %squeeze3A_43, %dot_general3A_44 {dimension_numbers = #tpu.dot_dimension_numbers<[1], [0], [0], [1], [0, 0, 1, 1], [], []>, transpose_lhs_hint = false} : vector<128x128xf32>, vector<128x64xf32>, vector<128x64xf32> -> vector<128x64xf32>
    %add3A_46 = vector.broadcast %add3A_41 : vector<1x64xf32> to vector<128x64xf32>
    %add3A_47 = arith.addf %dot_general3A_45, %add3A_46 : vector<128x64xf32>
    %mul3A_48 = arith.mulf %squeeze3A_43, %add3A_47 : vector<128x64xf32>
    %reduce_sum3A_49 = arith.constant dense<0.000000e+00> : vector<128xf32>
    %reduce_sum3A_50 = vector.multi_reduction <add>, %mul3A_48, %reduce_sum3A_49 [1] : vector<128x64xf32> to vector<128xf32>
    %broadcast_in_dim3A_51 = vector.shape_cast %reduce_sum3A_50 : vector<128xf32> to vector<128x1xf32>
    %slice3A_52 = vector.extract_strided_slice %dot_general3A_45 {offsets = [127, 0], sizes = [1, 64], strides = [1, 1]} : vector<128x64xf32> to vector<1x64xf32>
    %add3A_53 = arith.addf %add3A_41, %slice3A_52 : vector<1x64xf32>
    %slice3A_54 = vector.extract_strided_slice %reshape3A {offsets = [2, 0, 0], sizes = [1, 128, 64], strides = [1, 1, 1]} : vector<16x128x64xf32> to vector<1x128x64xf32>
    %squeeze3A_55 = vector.shape_cast %slice3A_54 : vector<1x128x64xf32> to vector<128x64xf32>
    %dot_general3A_56 = arith.constant dense<0.000000e+00> : vector<128x64xf32>
    %dot_general3A_57 = tpu.matmul %convert_element_type3A_30, %squeeze3A_55, %dot_general3A_56 {dimension_numbers = #tpu.dot_dimension_numbers<[1], [0], [0], [1], [0, 0, 1, 1], [], []>, transpose_lhs_hint = false} : vector<128x128xf32>, vector<128x64xf32>, vector<128x64xf32> -> vector<128x64xf32>
    %add3A_58 = vector.broadcast %add3A_53 : vector<1x64xf32> to vector<128x64xf32>
    %add3A_59 = arith.addf %dot_general3A_57, %add3A_58 : vector<128x64xf32>
    %mul3A_60 = arith.mulf %squeeze3A_55, %add3A_59 : vector<128x64xf32>
    %reduce_sum3A_61 = arith.constant dense<0.000000e+00> : vector<128xf32>
    %reduce_sum3A_62 = vector.multi_reduction <add>, %mul3A_60, %reduce_sum3A_61 [1] : vector<128x64xf32> to vector<128xf32>
    %broadcast_in_dim3A_63 = vector.shape_cast %reduce_sum3A_62 : vector<128xf32> to vector<128x1xf32>
    %slice3A_64 = vector.extract_strided_slice %dot_general3A_57 {offsets = [127, 0], sizes = [1, 64], strides = [1, 1]} : vector<128x64xf32> to vector<1x64xf32>
    %add3A_65 = arith.addf %add3A_53, %slice3A_64 : vector<1x64xf32>
    %slice3A_66 = vector.extract_strided_slice %reshape3A {offsets = [3, 0, 0], sizes = [1, 128, 64], strides = [1, 1, 1]} : vector<16x128x64xf32> to vector<1x128x64xf32>
    %squeeze3A_67 = vector.shape_cast %slice3A_66 : vector<1x128x64xf32> to vector<128x64xf32>
    %dot_general3A_68 = arith.constant dense<0.000000e+00> : vector<128x64xf32>
    %dot_general3A_69 = tpu.matmul %convert_element_type3A_30, %squeeze3A_67, %dot_general3A_68 {dimension_numbers = #tpu.dot_dimension_numbers<[1], [0], [0], [1], [0, 0, 1, 1], [], []>, transpose_lhs_hint = false} : vector<128x128xf32>, vector<128x64xf32>, vector<128x64xf32> -> vector<128x64xf32>
    %add3A_70 = vector.broadcast %add3A_65 : vector<1x64xf32> to vector<128x64xf32>
    %add3A_71 = arith.addf %dot_general3A_69, %add3A_70 : vector<128x64xf32>
    %mul3A_72 = arith.mulf %squeeze3A_67, %add3A_71 : vector<128x64xf32>
    %reduce_sum3A_73 = arith.constant dense<0.000000e+00> : vector<128xf32>
    %reduce_sum3A_74 = vector.multi_reduction <add>, %mul3A_72, %reduce_sum3A_73 [1] : vector<128x64xf32> to vector<128xf32>
    %broadcast_in_dim3A_75 = vector.shape_cast %reduce_sum3A_74 : vector<128xf32> to vector<128x1xf32>
    %slice3A_76 = vector.extract_strided_slice %dot_general3A_69 {offsets = [127, 0], sizes = [1, 64], strides = [1, 1]} : vector<128x64xf32> to vector<1x64xf32>
    %add3A_77 = arith.addf %add3A_65, %slice3A_76 : vector<1x64xf32>
    %slice3A_78 = vector.extract_strided_slice %reshape3A {offsets = [4, 0, 0], sizes = [1, 128, 64], strides = [1, 1, 1]} : vector<16x128x64xf32> to vector<1x128x64xf32>
    %squeeze3A_79 = vector.shape_cast %slice3A_78 : vector<1x128x64xf32> to vector<128x64xf32>
    %dot_general3A_80 = arith.constant dense<0.000000e+00> : vector<128x64xf32>
    %dot_general3A_81 = tpu.matmul %convert_element_type3A_30, %squeeze3A_79, %dot_general3A_80 {dimension_numbers = #tpu.dot_dimension_numbers<[1], [0], [0], [1], [0, 0, 1, 1], [], []>, transpose_lhs_hint = false} : vector<128x128xf32>, vector<128x64xf32>, vector<128x64xf32> -> vector<128x64xf32>
    %add3A_82 = vector.broadcast %add3A_77 : vector<1x64xf32> to vector<128x64xf32>
    %add3A_83 = arith.addf %dot_general3A_81, %add3A_82 : vector<128x64xf32>
    %mul3A_84 = arith.mulf %squeeze3A_79, %add3A_83 : vector<128x64xf32>
    %reduce_sum3A_85 = arith.constant dense<0.000000e+00> : vector<128xf32>
    %reduce_sum3A_86 = vector.multi_reduction <add>, %mul3A_84, %reduce_sum3A_85 [1] : vector<128x64xf32> to vector<128xf32>
    %broadcast_in_dim3A_87 = vector.shape_cast %reduce_sum3A_86 : vector<128xf32> to vector<128x1xf32>
    %slice3A_88 = vector.extract_strided_slice %dot_general3A_81 {offsets = [127, 0], sizes = [1, 64], strides = [1, 1]} : vector<128x64xf32> to vector<1x64xf32>
    %add3A_89 = arith.addf %add3A_77, %slice3A_88 : vector<1x64xf32>
    %slice3A_90 = vector.extract_strided_slice %reshape3A {offsets = [5, 0, 0], sizes = [1, 128, 64], strides = [1, 1, 1]} : vector<16x128x64xf32> to vector<1x128x64xf32>
    %squeeze3A_91 = vector.shape_cast %slice3A_90 : vector<1x128x64xf32> to vector<128x64xf32>
    %dot_general3A_92 = arith.constant dense<0.000000e+00> : vector<128x64xf32>
    %dot_general3A_93 = tpu.matmul %convert_element_type3A_30, %squeeze3A_91, %dot_general3A_92 {dimension_numbers = #tpu.dot_dimension_numbers<[1], [0], [0], [1], [0, 0, 1, 1], [], []>, transpose_lhs_hint = false} : vector<128x128xf32>, vector<128x64xf32>, vector<128x64xf32> -> vector<128x64xf32>
    %add3A_94 = vector.broadcast %add3A_89 : vector<1x64xf32> to vector<128x64xf32>
    %add3A_95 = arith.addf %dot_general3A_93, %add3A_94 : vector<128x64xf32>
    %mul3A_96 = arith.mulf %squeeze3A_91, %add3A_95 : vector<128x64xf32>
    %reduce_sum3A_97 = arith.constant dense<0.000000e+00> : vector<128xf32>
    %reduce_sum3A_98 = vector.multi_reduction <add>, %mul3A_96, %reduce_sum3A_97 [1] : vector<128x64xf32> to vector<128xf32>
    %broadcast_in_dim3A_99 = vector.shape_cast %reduce_sum3A_98 : vector<128xf32> to vector<128x1xf32>
    %slice3A_100 = vector.extract_strided_slice %dot_general3A_93 {offsets = [127, 0], sizes = [1, 64], strides = [1, 1]} : vector<128x64xf32> to vector<1x64xf32>
    %add3A_101 = arith.addf %add3A_89, %slice3A_100 : vector<1x64xf32>
    %slice3A_102 = vector.extract_strided_slice %reshape3A {offsets = [6, 0, 0], sizes = [1, 128, 64], strides = [1, 1, 1]} : vector<16x128x64xf32> to vector<1x128x64xf32>
    %squeeze3A_103 = vector.shape_cast %slice3A_102 : vector<1x128x64xf32> to vector<128x64xf32>
    %dot_general3A_104 = arith.constant dense<0.000000e+00> : vector<128x64xf32>
    %dot_general3A_105 = tpu.matmul %convert_element_type3A_30, %squeeze3A_103, %dot_general3A_104 {dimension_numbers = #tpu.dot_dimension_numbers<[1], [0], [0], [1], [0, 0, 1, 1], [], []>, transpose_lhs_hint = false} : vector<128x128xf32>, vector<128x64xf32>, vector<128x64xf32> -> vector<128x64xf32>
    %add3A_106 = vector.broadcast %add3A_101 : vector<1x64xf32> to vector<128x64xf32>
    %add3A_107 = arith.addf %dot_general3A_105, %add3A_106 : vector<128x64xf32>
    %mul3A_108 = arith.mulf %squeeze3A_103, %add3A_107 : vector<128x64xf32>
    %reduce_sum3A_109 = arith.constant dense<0.000000e+00> : vector<128xf32>
    %reduce_sum3A_110 = vector.multi_reduction <add>, %mul3A_108, %reduce_sum3A_109 [1] : vector<128x64xf32> to vector<128xf32>
    %broadcast_in_dim3A_111 = vector.shape_cast %reduce_sum3A_110 : vector<128xf32> to vector<128x1xf32>
    %slice3A_112 = vector.extract_strided_slice %dot_general3A_105 {offsets = [127, 0], sizes = [1, 64], strides = [1, 1]} : vector<128x64xf32> to vector<1x64xf32>
    %add3A_113 = arith.addf %add3A_101, %slice3A_112 : vector<1x64xf32>
    %slice3A_114 = vector.extract_strided_slice %reshape3A {offsets = [7, 0, 0], sizes = [1, 128, 64], strides = [1, 1, 1]} : vector<16x128x64xf32> to vector<1x128x64xf32>
    %squeeze3A_115 = vector.shape_cast %slice3A_114 : vector<1x128x64xf32> to vector<128x64xf32>
    %dot_general3A_116 = arith.constant dense<0.000000e+00> : vector<128x64xf32>
    %dot_general3A_117 = tpu.matmul %convert_element_type3A_30, %squeeze3A_115, %dot_general3A_116 {dimension_numbers = #tpu.dot_dimension_numbers<[1], [0], [0], [1], [0, 0, 1, 1], [], []>, transpose_lhs_hint = false} : vector<128x128xf32>, vector<128x64xf32>, vector<128x64xf32> -> vector<128x64xf32>
    %add3A_118 = vector.broadcast %add3A_113 : vector<1x64xf32> to vector<128x64xf32>
    %add3A_119 = arith.addf %dot_general3A_117, %add3A_118 : vector<128x64xf32>
    %mul3A_120 = arith.mulf %squeeze3A_115, %add3A_119 : vector<128x64xf32>
    %reduce_sum3A_121 = arith.constant dense<0.000000e+00> : vector<128xf32>
    %reduce_sum3A_122 = vector.multi_reduction <add>, %mul3A_120, %reduce_sum3A_121 [1] : vector<128x64xf32> to vector<128xf32>
    %broadcast_in_dim3A_123 = vector.shape_cast %reduce_sum3A_122 : vector<128xf32> to vector<128x1xf32>
    %slice3A_124 = vector.extract_strided_slice %dot_general3A_117 {offsets = [127, 0], sizes = [1, 64], strides = [1, 1]} : vector<128x64xf32> to vector<1x64xf32>
    %add3A_125 = arith.addf %add3A_113, %slice3A_124 : vector<1x64xf32>
    %slice3A_126 = vector.extract_strided_slice %reshape3A {offsets = [8, 0, 0], sizes = [1, 128, 64], strides = [1, 1, 1]} : vector<16x128x64xf32> to vector<1x128x64xf32>
    %squeeze3A_127 = vector.shape_cast %slice3A_126 : vector<1x128x64xf32> to vector<128x64xf32>
    %dot_general3A_128 = arith.constant dense<0.000000e+00> : vector<128x64xf32>
    %dot_general3A_129 = tpu.matmul %convert_element_type3A_30, %squeeze3A_127, %dot_general3A_128 {dimension_numbers = #tpu.dot_dimension_numbers<[1], [0], [0], [1], [0, 0, 1, 1], [], []>, transpose_lhs_hint = false} : vector<128x128xf32>, vector<128x64xf32>, vector<128x64xf32> -> vector<128x64xf32>
    %add3A_130 = vector.broadcast %add3A_125 : vector<1x64xf32> to vector<128x64xf32>
    %add3A_131 = arith.addf %dot_general3A_129, %add3A_130 : vector<128x64xf32>
    %mul3A_132 = arith.mulf %squeeze3A_127, %add3A_131 : vector<128x64xf32>
    %reduce_sum3A_133 = arith.constant dense<0.000000e+00> : vector<128xf32>
    %reduce_sum3A_134 = vector.multi_reduction <add>, %mul3A_132, %reduce_sum3A_133 [1] : vector<128x64xf32> to vector<128xf32>
    %broadcast_in_dim3A_135 = vector.shape_cast %reduce_sum3A_134 : vector<128xf32> to vector<128x1xf32>
    %slice3A_136 = vector.extract_strided_slice %dot_general3A_129 {offsets = [127, 0], sizes = [1, 64], strides = [1, 1]} : vector<128x64xf32> to vector<1x64xf32>
    %add3A_137 = arith.addf %add3A_125, %slice3A_136 : vector<1x64xf32>
    %slice3A_138 = vector.extract_strided_slice %reshape3A {offsets = [9, 0, 0], sizes = [1, 128, 64], strides = [1, 1, 1]} : vector<16x128x64xf32> to vector<1x128x64xf32>
    %squeeze3A_139 = vector.shape_cast %slice3A_138 : vector<1x128x64xf32> to vector<128x64xf32>
    %dot_general3A_140 = arith.constant dense<0.000000e+00> : vector<128x64xf32>
    %dot_general3A_141 = tpu.matmul %convert_element_type3A_30, %squeeze3A_139, %dot_general3A_140 {dimension_numbers = #tpu.dot_dimension_numbers<[1], [0], [0], [1], [0, 0, 1, 1], [], []>, transpose_lhs_hint = false} : vector<128x128xf32>, vector<128x64xf32>, vector<128x64xf32> -> vector<128x64xf32>
    %add3A_142 = vector.broadcast %add3A_137 : vector<1x64xf32> to vector<128x64xf32>
    %add3A_143 = arith.addf %dot_general3A_141, %add3A_142 : vector<128x64xf32>
    %mul3A_144 = arith.mulf %squeeze3A_139, %add3A_143 : vector<128x64xf32>
    %reduce_sum3A_145 = arith.constant dense<0.000000e+00> : vector<128xf32>
    %reduce_sum3A_146 = vector.multi_reduction <add>, %mul3A_144, %reduce_sum3A_145 [1] : vector<128x64xf32> to vector<128xf32>
    %broadcast_in_dim3A_147 = vector.shape_cast %reduce_sum3A_146 : vector<128xf32> to vector<128x1xf32>
    %slice3A_148 = vector.extract_strided_slice %dot_general3A_141 {offsets = [127, 0], sizes = [1, 64], strides = [1, 1]} : vector<128x64xf32> to vector<1x64xf32>
    %add3A_149 = arith.addf %add3A_137, %slice3A_148 : vector<1x64xf32>
    %slice3A_150 = vector.extract_strided_slice %reshape3A {offsets = [10, 0, 0], sizes = [1, 128, 64], strides = [1, 1, 1]} : vector<16x128x64xf32> to vector<1x128x64xf32>
    %squeeze3A_151 = vector.shape_cast %slice3A_150 : vector<1x128x64xf32> to vector<128x64xf32>
    %dot_general3A_152 = arith.constant dense<0.000000e+00> : vector<128x64xf32>
    %dot_general3A_153 = tpu.matmul %convert_element_type3A_30, %squeeze3A_151, %dot_general3A_152 {dimension_numbers = #tpu.dot_dimension_numbers<[1], [0], [0], [1], [0, 0, 1, 1], [], []>, transpose_lhs_hint = false} : vector<128x128xf32>, vector<128x64xf32>, vector<128x64xf32> -> vector<128x64xf32>
    %add3A_154 = vector.broadcast %add3A_149 : vector<1x64xf32> to vector<128x64xf32>
    %add3A_155 = arith.addf %dot_general3A_153, %add3A_154 : vector<128x64xf32>
    %mul3A_156 = arith.mulf %squeeze3A_151, %add3A_155 : vector<128x64xf32>
    %reduce_sum3A_157 = arith.constant dense<0.000000e+00> : vector<128xf32>
    %reduce_sum3A_158 = vector.multi_reduction <add>, %mul3A_156, %reduce_sum3A_157 [1] : vector<128x64xf32> to vector<128xf32>
    %broadcast_in_dim3A_159 = vector.shape_cast %reduce_sum3A_158 : vector<128xf32> to vector<128x1xf32>
    %slice3A_160 = vector.extract_strided_slice %dot_general3A_153 {offsets = [127, 0], sizes = [1, 64], strides = [1, 1]} : vector<128x64xf32> to vector<1x64xf32>
    %add3A_161 = arith.addf %add3A_149, %slice3A_160 : vector<1x64xf32>
    %slice3A_162 = vector.extract_strided_slice %reshape3A {offsets = [11, 0, 0], sizes = [1, 128, 64], strides = [1, 1, 1]} : vector<16x128x64xf32> to vector<1x128x64xf32>
    %squeeze3A_163 = vector.shape_cast %slice3A_162 : vector<1x128x64xf32> to vector<128x64xf32>
    %dot_general3A_164 = arith.constant dense<0.000000e+00> : vector<128x64xf32>
    %dot_general3A_165 = tpu.matmul %convert_element_type3A_30, %squeeze3A_163, %dot_general3A_164 {dimension_numbers = #tpu.dot_dimension_numbers<[1], [0], [0], [1], [0, 0, 1, 1], [], []>, transpose_lhs_hint = false} : vector<128x128xf32>, vector<128x64xf32>, vector<128x64xf32> -> vector<128x64xf32>
    %add3A_166 = vector.broadcast %add3A_161 : vector<1x64xf32> to vector<128x64xf32>
    %add3A_167 = arith.addf %dot_general3A_165, %add3A_166 : vector<128x64xf32>
    %mul3A_168 = arith.mulf %squeeze3A_163, %add3A_167 : vector<128x64xf32>
    %reduce_sum3A_169 = arith.constant dense<0.000000e+00> : vector<128xf32>
    %reduce_sum3A_170 = vector.multi_reduction <add>, %mul3A_168, %reduce_sum3A_169 [1] : vector<128x64xf32> to vector<128xf32>
    %broadcast_in_dim3A_171 = vector.shape_cast %reduce_sum3A_170 : vector<128xf32> to vector<128x1xf32>
    %slice3A_172 = vector.extract_strided_slice %dot_general3A_165 {offsets = [127, 0], sizes = [1, 64], strides = [1, 1]} : vector<128x64xf32> to vector<1x64xf32>
    %add3A_173 = arith.addf %add3A_161, %slice3A_172 : vector<1x64xf32>
    %slice3A_174 = vector.extract_strided_slice %reshape3A {offsets = [12, 0, 0], sizes = [1, 128, 64], strides = [1, 1, 1]} : vector<16x128x64xf32> to vector<1x128x64xf32>
    %squeeze3A_175 = vector.shape_cast %slice3A_174 : vector<1x128x64xf32> to vector<128x64xf32>
    %dot_general3A_176 = arith.constant dense<0.000000e+00> : vector<128x64xf32>
    %dot_general3A_177 = tpu.matmul %convert_element_type3A_30, %squeeze3A_175, %dot_general3A_176 {dimension_numbers = #tpu.dot_dimension_numbers<[1], [0], [0], [1], [0, 0, 1, 1], [], []>, transpose_lhs_hint = false} : vector<128x128xf32>, vector<128x64xf32>, vector<128x64xf32> -> vector<128x64xf32>
    %add3A_178 = vector.broadcast %add3A_173 : vector<1x64xf32> to vector<128x64xf32>
    %add3A_179 = arith.addf %dot_general3A_177, %add3A_178 : vector<128x64xf32>
    %mul3A_180 = arith.mulf %squeeze3A_175, %add3A_179 : vector<128x64xf32>
    %reduce_sum3A_181 = arith.constant dense<0.000000e+00> : vector<128xf32>
    %reduce_sum3A_182 = vector.multi_reduction <add>, %mul3A_180, %reduce_sum3A_181 [1] : vector<128x64xf32> to vector<128xf32>
    %broadcast_in_dim3A_183 = vector.shape_cast %reduce_sum3A_182 : vector<128xf32> to vector<128x1xf32>
    %slice3A_184 = vector.extract_strided_slice %dot_general3A_177 {offsets = [127, 0], sizes = [1, 64], strides = [1, 1]} : vector<128x64xf32> to vector<1x64xf32>
    %add3A_185 = arith.addf %add3A_173, %slice3A_184 : vector<1x64xf32>
    %slice3A_186 = vector.extract_strided_slice %reshape3A {offsets = [13, 0, 0], sizes = [1, 128, 64], strides = [1, 1, 1]} : vector<16x128x64xf32> to vector<1x128x64xf32>
    %squeeze3A_187 = vector.shape_cast %slice3A_186 : vector<1x128x64xf32> to vector<128x64xf32>
    %dot_general3A_188 = arith.constant dense<0.000000e+00> : vector<128x64xf32>
    %dot_general3A_189 = tpu.matmul %convert_element_type3A_30, %squeeze3A_187, %dot_general3A_188 {dimension_numbers = #tpu.dot_dimension_numbers<[1], [0], [0], [1], [0, 0, 1, 1], [], []>, transpose_lhs_hint = false} : vector<128x128xf32>, vector<128x64xf32>, vector<128x64xf32> -> vector<128x64xf32>
    %add3A_190 = vector.broadcast %add3A_185 : vector<1x64xf32> to vector<128x64xf32>
    %add3A_191 = arith.addf %dot_general3A_189, %add3A_190 : vector<128x64xf32>
    %mul3A_192 = arith.mulf %squeeze3A_187, %add3A_191 : vector<128x64xf32>
    %reduce_sum3A_193 = arith.constant dense<0.000000e+00> : vector<128xf32>
    %reduce_sum3A_194 = vector.multi_reduction <add>, %mul3A_192, %reduce_sum3A_193 [1] : vector<128x64xf32> to vector<128xf32>
    %broadcast_in_dim3A_195 = vector.shape_cast %reduce_sum3A_194 : vector<128xf32> to vector<128x1xf32>
    %slice3A_196 = vector.extract_strided_slice %dot_general3A_189 {offsets = [127, 0], sizes = [1, 64], strides = [1, 1]} : vector<128x64xf32> to vector<1x64xf32>
    %add3A_197 = arith.addf %add3A_185, %slice3A_196 : vector<1x64xf32>
    %slice3A_198 = vector.extract_strided_slice %reshape3A {offsets = [14, 0, 0], sizes = [1, 128, 64], strides = [1, 1, 1]} : vector<16x128x64xf32> to vector<1x128x64xf32>
    %squeeze3A_199 = vector.shape_cast %slice3A_198 : vector<1x128x64xf32> to vector<128x64xf32>
    %dot_general3A_200 = arith.constant dense<0.000000e+00> : vector<128x64xf32>
    %dot_general3A_201 = tpu.matmul %convert_element_type3A_30, %squeeze3A_199, %dot_general3A_200 {dimension_numbers = #tpu.dot_dimension_numbers<[1], [0], [0], [1], [0, 0, 1, 1], [], []>, transpose_lhs_hint = false} : vector<128x128xf32>, vector<128x64xf32>, vector<128x64xf32> -> vector<128x64xf32>
    %add3A_202 = vector.broadcast %add3A_197 : vector<1x64xf32> to vector<128x64xf32>
    %add3A_203 = arith.addf %dot_general3A_201, %add3A_202 : vector<128x64xf32>
    %mul3A_204 = arith.mulf %squeeze3A_199, %add3A_203 : vector<128x64xf32>
    %reduce_sum3A_205 = arith.constant dense<0.000000e+00> : vector<128xf32>
    %reduce_sum3A_206 = vector.multi_reduction <add>, %mul3A_204, %reduce_sum3A_205 [1] : vector<128x64xf32> to vector<128xf32>
    %broadcast_in_dim3A_207 = vector.shape_cast %reduce_sum3A_206 : vector<128xf32> to vector<128x1xf32>
    %slice3A_208 = vector.extract_strided_slice %dot_general3A_201 {offsets = [127, 0], sizes = [1, 64], strides = [1, 1]} : vector<128x64xf32> to vector<1x64xf32>
    %add3A_209 = arith.addf %add3A_197, %slice3A_208 : vector<1x64xf32>
    %slice3A_210 = vector.extract_strided_slice %reshape3A {offsets = [15, 0, 0], sizes = [1, 128, 64], strides = [1, 1, 1]} : vector<16x128x64xf32> to vector<1x128x64xf32>
    %squeeze3A_211 = vector.shape_cast %slice3A_210 : vector<1x128x64xf32> to vector<128x64xf32>
    %dot_general3A_212 = arith.constant dense<0.000000e+00> : vector<128x64xf32>
    %dot_general3A_213 = tpu.matmul %convert_element_type3A_30, %squeeze3A_211, %dot_general3A_212 {dimension_numbers = #tpu.dot_dimension_numbers<[1], [0], [0], [1], [0, 0, 1, 1], [], []>, transpose_lhs_hint = false} : vector<128x128xf32>, vector<128x64xf32>, vector<128x64xf32> -> vector<128x64xf32>
    %add3A_214 = vector.broadcast %add3A_209 : vector<1x64xf32> to vector<128x64xf32>
    %add3A_215 = arith.addf %dot_general3A_213, %add3A_214 : vector<128x64xf32>
    %mul3A_216 = arith.mulf %squeeze3A_211, %add3A_215 : vector<128x64xf32>
    %reduce_sum3A_217 = arith.constant dense<0.000000e+00> : vector<128xf32>
    %reduce_sum3A_218 = vector.multi_reduction <add>, %mul3A_216, %reduce_sum3A_217 [1] : vector<128x64xf32> to vector<128xf32>
    %broadcast_in_dim3A_219 = vector.shape_cast %reduce_sum3A_218 : vector<128xf32> to vector<128x1xf32>
    %slice3A_220 = vector.extract_strided_slice %dot_general3A_213 {offsets = [127, 0], sizes = [1, 64], strides = [1, 1]} : vector<128x64xf32> to vector<1x64xf32>
    %add3A_221 = arith.addf %add3A_209, %slice3A_220 : vector<1x64xf32>
    %convert_element_type3A_222 = arith.fptosi %add3A_221 : vector<1x64xf32> to vector<1x64xi32>
    %concatenate3A_223 = tpu.concatenate %broadcast_in_dim3A_39, %broadcast_in_dim3A_51, %broadcast_in_dim3A_63, %broadcast_in_dim3A_75, %broadcast_in_dim3A_87, %broadcast_in_dim3A_99, %broadcast_in_dim3A_111, %broadcast_in_dim3A_123, %broadcast_in_dim3A_135, %broadcast_in_dim3A_147, %broadcast_in_dim3A_159, %broadcast_in_dim3A_171, %broadcast_in_dim3A_183, %broadcast_in_dim3A_195, %broadcast_in_dim3A_207, %broadcast_in_dim3A_219 in 0 : vector<128x1xf32>, vector<128x1xf32>, vector<128x1xf32>, vector<128x1xf32>, vector<128x1xf32>, vector<128x1xf32>, vector<128x1xf32>, vector<128x1xf32>, vector<128x1xf32>, vector<128x1xf32>, vector<128x1xf32>, vector<128x1xf32>, vector<128x1xf32>, vector<128x1xf32>, vector<128x1xf32>, vector<128x1xf32> -> vector<2048x1xf32>
    %sub3A_224 = arith.constant 1.000000e+00 : f32
    %sub3A_225 = vector.broadcast %sub3A_224 : f32 to vector<2048x1xf32>
    %sub3A_226 = arith.subf %concatenate3A_223, %sub3A_225 : vector<2048x1xf32>
    %add3A_227 = arith.constant 63 : i32
    %add3A_228 = vector.broadcast %add3A_227 : i32 to vector<1x64xi32>
    %add3A_229 = arith.addi %convert_element_type3A_222, %add3A_228 : vector<1x64xi32>
    %jit3A_230 = arith.constant 64 : i32
    %div3A_231 = vector.broadcast %jit3A_230 : i32 to vector<1x64xi32>
    %div3A_232 = arith.divsi %add3A_229, %div3A_231 : vector<1x64xi32>
    %sign3A = arith.constant 0 : i32
    %sign3A_233 = vector.broadcast %sign3A : i32 to vector<1x64xi32>
    %sign3A_234 = arith.cmpi sgt, %add3A_229, %sign3A_233 : vector<1x64xi32>
    %sign3A_235 = arith.extui %sign3A_234 : vector<1x64xi1> to vector<1x64xi32>
    %sign3A_236 = arith.constant 0 : i32
    %sign3A_237 = vector.broadcast %sign3A_236 : i32 to vector<1x64xi32>
    %sign3A_238 = arith.cmpi slt, %add3A_229, %sign3A_237 : vector<1x64xi32>
    %sign3A_239 = arith.extui %sign3A_238 : vector<1x64xi1> to vector<1x64xi32>
    %sign3A_240 = arith.subi %sign3A_235, %sign3A_239 : vector<1x64xi32>
    %sign3A_241 = arith.constant 0 : i32
    %sign3A_242 = arith.cmpi sgt, %jit3A_230, %sign3A_241 : i32
    %sign3A_243 = arith.extui %sign3A_242 : i1 to i32
    %sign3A_244 = arith.constant 0 : i32
    %sign3A_245 = arith.cmpi slt, %jit3A_230, %sign3A_244 : i32
    %sign3A_246 = arith.extui %sign3A_245 : i1 to i32
    %sign3A_247 = arith.subi %sign3A_243, %sign3A_246 : i32
    %ne3A = vector.broadcast %sign3A_247 : i32 to vector<1x64xi32>
    %ne3A_248 = arith.cmpi ne, %sign3A_240, %ne3A : vector<1x64xi32>
    %rem3A = vector.broadcast %jit3A_230 : i32 to vector<1x64xi32>
    %rem3A_249 = arith.remsi %add3A_229, %rem3A : vector<1x64xi32>
    %ne3A_250 = arith.constant 0 : i32
    %ne3A_251 = vector.broadcast %ne3A_250 : i32 to vector<1x64xi32>
    %ne3A_252 = arith.cmpi ne, %rem3A_249, %ne3A_251 : vector<1x64xi32>
    %and3A = arith.andi %ne3A_248, %ne3A_252 : vector<1x64xi1>
    %sub3A_253 = arith.constant 1 : i32
    %sub3A_254 = vector.broadcast %sub3A_253 : i32 to vector<1x64xi32>
    %sub3A_255 = arith.subi %div3A_232, %sub3A_254 : vector<1x64xi32>
    %select_n3A_256 = arith.select %and3A, %sub3A_255, %div3A_232 : vector<1x64xi1>, vector<1x64xi32>
    %broadcast_in_dim3A_257 = arith.constant 0 : i32
    %broadcast_in_dim3A_258 = vector.broadcast %broadcast_in_dim3A_257 : i32 to vector<1x1xi32>
    %slice3A_259 = vector.extract_strided_slice %select_n3A_256 {offsets = [0, 0], sizes = [1, 63], strides = [1, 1]} : vector<1x64xi32> to vector<1x63xi32>
    %concatenate3A_260 = tpu.concatenate %broadcast_in_dim3A_258, %slice3A_259 in 1 : vector<1x1xi32>, vector<1x63xi32> -> vector<1x64xi32>
    %add3A_261 = arith.addi %select_n3A_256, %concatenate3A_260 : vector<1x64xi32>
    %broadcast_in_dim3A_262 = arith.constant 0 : i32
    %broadcast_in_dim3A_263 = vector.broadcast %broadcast_in_dim3A_262 : i32 to vector<1x2xi32>
    %slice3A_264 = vector.extract_strided_slice %add3A_261 {offsets = [0, 0], sizes = [1, 62], strides = [1, 1]} : vector<1x64xi32> to vector<1x62xi32>
    %concatenate3A_265 = tpu.concatenate %broadcast_in_dim3A_263, %slice3A_264 in 1 : vector<1x2xi32>, vector<1x62xi32> -> vector<1x64xi32>
    %add3A_266 = arith.addi %add3A_261, %concatenate3A_265 : vector<1x64xi32>
    %broadcast_in_dim3A_267 = arith.constant 0 : i32
    %broadcast_in_dim3A_268 = vector.broadcast %broadcast_in_dim3A_267 : i32 to vector<1x4xi32>
    %slice3A_269 = vector.extract_strided_slice %add3A_266 {offsets = [0, 0], sizes = [1, 60], strides = [1, 1]} : vector<1x64xi32> to vector<1x60xi32>
    %concatenate3A_270 = tpu.concatenate %broadcast_in_dim3A_268, %slice3A_269 in 1 : vector<1x4xi32>, vector<1x60xi32> -> vector<1x64xi32>
    %add3A_271 = arith.addi %add3A_266, %concatenate3A_270 : vector<1x64xi32>
    %broadcast_in_dim3A_272 = arith.constant 0 : i32
    %broadcast_in_dim3A_273 = vector.broadcast %broadcast_in_dim3A_272 : i32 to vector<1x8xi32>
    %slice3A_274 = vector.extract_strided_slice %add3A_271 {offsets = [0, 0], sizes = [1, 56], strides = [1, 1]} : vector<1x64xi32> to vector<1x56xi32>
    %concatenate3A_275 = tpu.concatenate %broadcast_in_dim3A_273, %slice3A_274 in 1 : vector<1x8xi32>, vector<1x56xi32> -> vector<1x64xi32>
    %add3A_276 = arith.addi %add3A_271, %concatenate3A_275 : vector<1x64xi32>
    %broadcast_in_dim3A_277 = arith.constant 0 : i32
    %broadcast_in_dim3A_278 = vector.broadcast %broadcast_in_dim3A_277 : i32 to vector<1x16xi32>
    %slice3A_279 = vector.extract_strided_slice %add3A_276 {offsets = [0, 0], sizes = [1, 48], strides = [1, 1]} : vector<1x64xi32> to vector<1x48xi32>
    %concatenate3A_280 = tpu.concatenate %broadcast_in_dim3A_278, %slice3A_279 in 1 : vector<1x16xi32>, vector<1x48xi32> -> vector<1x64xi32>
    %add3A_281 = arith.addi %add3A_276, %concatenate3A_280 : vector<1x64xi32>
    %broadcast_in_dim3A_282 = arith.constant 0 : i32
    %broadcast_in_dim3A_283 = vector.broadcast %broadcast_in_dim3A_282 : i32 to vector<1x32xi32>
    %slice3A_284 = vector.extract_strided_slice %add3A_281 {offsets = [0, 0], sizes = [1, 32], strides = [1, 1]} : vector<1x64xi32> to vector<1x32xi32>
    %concatenate3A_285 = tpu.concatenate %broadcast_in_dim3A_283, %slice3A_284 in 1 : vector<1x32xi32>, vector<1x32xi32> -> vector<1x64xi32>
    %add3A_286 = arith.addi %add3A_281, %concatenate3A_285 : vector<1x64xi32>
    %sub3A_287 = arith.subi %add3A_286, %select_n3A_256 : vector<1x64xi32>
    %mul3A_288 = arith.constant 64 : i32
    %mul3A_289 = vector.broadcast %mul3A_288 : i32 to vector<1x64xi32>
    %mul3A_290 = arith.muli %sub3A_287, %mul3A_289 : vector<1x64xi32>
    %convert_element_type3A_291 = arith.sitofp %mul3A_290 : vector<1x64xi32> to vector<1x64xf32>
    %mul3A_292 = vector.broadcast %convert_element_type3A_291 : vector<1x64xf32> to vector<2048x64xf32>
    %mul3A_293 = arith.mulf %convert_element_type3A_25, %mul3A_292 : vector<2048x64xf32>
    %reduce_sum3A_294 = arith.constant dense<0.000000e+00> : vector<2048xf32>
    %reduce_sum3A_295 = vector.multi_reduction <add>, %mul3A_293, %reduce_sum3A_294 [1] : vector<2048x64xf32> to vector<2048xf32>
    %broadcast_in_dim3A_296 = vector.shape_cast %reduce_sum3A_295 : vector<2048xf32> to vector<2048x1xf32>
    %add3A_297 = arith.addf %broadcast_in_dim3A_296, %sub3A_226 : vector<2048x1xf32>
    %convert_element_type3A_298 = arith.fptosi %add3A_297 : vector<2048x1xf32> to vector<2048x1xi32>
    %swap3A_299 = arith.constant 0 : index
    %swap3A_300 = arith.constant 0 : index
    %swap3A_301 = vector.load %arg4[%swap3A_299, %swap3A_300] : memref<2048x1xi32, #tpu.memory_space<vmem>>, vector<2048x1xi32>
    tpu.vector_store %arg4[%swap3A_299, %swap3A_300], %convert_element_type3A_298 {strides = array<i32>} : memref<2048x1xi32, #tpu.memory_space<vmem>>, vector<2048x1xi32>,
    %slice3A_302 = vector.extract_strided_slice %add3A_286 {offsets = [0, 63], sizes = [1, 1], strides = [1, 1]} : vector<1x64xi32> to vector<1x1xi32>
    %swap3A_303 = arith.constant 0 : index
    %swap3A_304 = arith.constant 0 : index
    %swap3A_305 = vector.load %arg6[%swap3A_303, %swap3A_304] : memref<1x1xi32, #tpu.memory_space<vmem>>, vector<1x1xi32>
    tpu.vector_store %arg6[%swap3A_303, %swap3A_304], %slice3A_302 {strides = array<i32>} : memref<1x1xi32, #tpu.memory_space<vmem>>, vector<1x1xi32>,
    %iota3A_306 = tpu.iota {dimensions = array<i32: 0>} : vector<128x64xi32>
    %broadcast_in_dim3A_307 = vector.shape_cast %add3A_286 : vector<1x64xi32> to vector<1x64xi32>
    %broadcast_in_dim3A_308 = vector.broadcast %broadcast_in_dim3A_307 : vector<1x64xi32> to vector<128x64xi32>
    %le3A = arith.cmpi sle, %broadcast_in_dim3A_308, %iota3A_306 : vector<128x64xi32>
    %convert_element_type3A_309 = arith.extui %le3A : vector<128x64xi1> to vector<128x64xi32>
    %reduce_sum3A_310 = arith.constant dense<0> : vector<128xi32>
    %reduce_sum3A_311 = vector.multi_reduction <add>, %convert_element_type3A_309, %reduce_sum3A_310 [1] : vector<128x64xi32> to vector<128xi32>
    %broadcast_in_dim3A_312 = vector.shape_cast %reduce_sum3A_311 : vector<128xi32> to vector<128x1xi32>
    %sub3A_313 = arith.constant 1 : i32
    %sub3A_314 = vector.broadcast %sub3A_313 : i32 to vector<1x1xi32>
    %sub3A_315 = arith.subi %slice3A_302, %sub3A_314 : vector<1x1xi32>
    %le3A_316 = vector.broadcast %sub3A_315 : vector<1x1xi32> to vector<1x64xi32>
    %le3A_317 = arith.cmpi sle, %add3A_286, %le3A_316 : vector<1x64xi32>
    %convert_element_type3A_318 = arith.extui %le3A_317 : vector<1x64xi1> to vector<1x64xi32>
    %reduce_sum3A_319 = arith.constant dense<0> : vector<1xi32>
    %reduce_sum3A_320 = vector.multi_reduction <add>, %convert_element_type3A_318, %reduce_sum3A_319 [1] : vector<1x64xi32> to vector<1xi32>
    %broadcast_in_dim3A_321 = vector.shape_cast %reduce_sum3A_320 : vector<1xi32> to vector<1x1xi32>
    %slice3A_322 = vector.extract_strided_slice %iota3A_306 {offsets = [0, 0], sizes = [128, 1], strides = [1, 1]} : vector<128x64xi32> to vector<128x1xi32>
    %lt3A = vector.broadcast %slice3A_302 : vector<1x1xi32> to vector<128x1xi32>
    %lt3A_323 = arith.cmpi slt, %slice3A_322, %lt3A : vector<128x1xi32>
    %broadcast_in_dim3A_324 = vector.shape_cast %broadcast_in_dim3A_321 : vector<1x1xi32> to vector<1x1xi32>
    %broadcast_in_dim3A_325 = vector.broadcast %broadcast_in_dim3A_324 : vector<1x1xi32> to vector<128x1xi32>
    %select_n3A_326 = arith.select %lt3A_323, %broadcast_in_dim3A_312, %broadcast_in_dim3A_325 : vector<128x1xi1>, vector<128x1xi32>
    %swap3A_327 = arith.constant 0 : index
    %swap3A_328 = arith.constant 0 : index
    %swap3A_329 = vector.load %arg5[%swap3A_327, %swap3A_328] : memref<128x1xi32, #tpu.memory_space<vmem>>, vector<128x1xi32>
    tpu.vector_store %arg5[%swap3A_327, %swap3A_328], %select_n3A_326 {strides = array<i32>} : memref<128x1xi32, #tpu.memory_space<vmem>>, vector<128x1xi32>,
    return
  }
}

module attributes {stable_mosaic.version = 14 : i64} {
  func.func @_ffn_body(%arg0: i32, %arg1: memref<128xi32, #tpu.memory_space<smem>>, %arg2: memref<1xi32, #tpu.memory_space<smem>>, %arg3: memref<64x896xf32, #tpu.memory_space<vmem>>, %arg4: memref<1x768x1536xf32, #tpu.memory_space<vmem>>, %arg5: memref<1x1x1536xf32, #tpu.memory_space<vmem>>, %arg6: memref<1x1536x768xf32, #tpu.memory_space<vmem>>, %arg7: memref<1x1x768xf32, #tpu.memory_space<vmem>>, %arg8: memref<1x768xf32, #tpu.memory_space<vmem>>, %arg9: memref<1x768xf32, #tpu.memory_space<vmem>>, %arg10: memref<768x1024xf32, #tpu.memory_space<vmem>>, %arg11: memref<1x1024xf32, #tpu.memory_space<vmem>>, %arg12: memref<64x1024xf32, #tpu.memory_space<vmem>>) attributes {dimension_semantics = [#tpu.dimension_semantics<arbitrary>], iteration_bounds = array<i64: 95>, scalar_prefetch = 2 : i64, scratch_operands = 0 : i64, tpu.core_type = #tpu.core_type<tc>, window_params = [{transform_indices = @transform_0, window_bounds = array<i64: 64, 896>}, {transform_indices = @transform_1, window_bounds = array<i64: 1, 768, 1536>}, {transform_indices = @transform_2, window_bounds = array<i64: 1, 1, 1536>}, {transform_indices = @transform_3, window_bounds = array<i64: 1, 1536, 768>}, {transform_indices = @transform_4, window_bounds = array<i64: 1, 1, 768>}, {pipeline_mode = #tpu.pipeline_mode<synchronous>, transform_indices = @transform_5, window_bounds = array<i64: 1, 768>}, {pipeline_mode = #tpu.pipeline_mode<synchronous>, transform_indices = @transform_6, window_bounds = array<i64: 1, 768>}, {pipeline_mode = #tpu.pipeline_mode<synchronous>, transform_indices = @transform_7, window_bounds = array<i64: 768, 1024>}, {pipeline_mode = #tpu.pipeline_mode<synchronous>, transform_indices = @transform_8, window_bounds = array<i64: 1, 1024>}, {transform_indices = @transform_9, window_bounds = array<i64: 64, 1024>}]} {
    %get3A = arith.constant 0 : index
    %get3A_0 = memref.load %arg2[%get3A] : memref<1xi32, #tpu.memory_space<smem>>
    %lt3A = arith.cmpi slt, %arg0, %get3A_0 : i32
    %convert_element_type3A = arith.extui %lt3A : i1 to i32
    %cond3A = arith.constant 0 : i32
    %cond3A_1 = arith.cmpi ne, %convert_element_type3A, %cond3A : i32
    scf.if %cond3A_1 {
      %get3A_2 = arith.constant 0 : index
      %get3A_3 = arith.constant 0 : index
      %get3A_4 = vector.load %arg3[%get3A_2, %get3A_3] : memref<64x896xf32, #tpu.memory_space<vmem>>, vector<64x768xf32>
      %get3A_5 = arith.constant 0 : index
      %get3A_6 = arith.constant 0 : index
      %get3A_7 = arith.constant 0 : index
      %get3A_8 = vector.load %arg4[%get3A_5, %get3A_6, %get3A_7] : memref<1x768x1536xf32, #tpu.memory_space<vmem>>, vector<1x768x1536xf32>
      %get3A_9 = vector.shape_cast %get3A_8 : vector<1x768x1536xf32> to vector<768x1536xf32>
      %dot_general3A = arith.constant dense<0.000000e+00> : vector<64x1536xf32>
      %dot_general3A_10 = tpu.matmul %get3A_4, %get3A_9, %dot_general3A {dimension_numbers = #tpu.dot_dimension_numbers<[1], [0], [0], [1], [0, 0, 1, 1], [], []>, transpose_lhs_hint = false} : vector<64x768xf32>, vector<768x1536xf32>, vector<64x1536xf32> -> vector<64x1536xf32>
      %get3A_11 = arith.constant 0 : index
      %get3A_12 = arith.constant 0 : index
      %get3A_13 = arith.constant 0 : index
      %get3A_14 = vector.load %arg5[%get3A_11, %get3A_12, %get3A_13] : memref<1x1x1536xf32, #tpu.memory_space<vmem>>, vector<1x1x1536xf32>
      %get3A_15 = vector.shape_cast %get3A_14 : vector<1x1x1536xf32> to vector<1x1536xf32>
      %add3A = vector.broadcast %get3A_15 : vector<1x1536xf32> to vector<64x1536xf32>
      %add3A_16 = arith.addf %dot_general3A_10, %add3A : vector<64x1536xf32>
      %max3A = arith.constant 0.000000e+00 : f32
      %max3A_17 = vector.broadcast %max3A : f32 to vector<64x1536xf32>
      %max3A_18 = arith.maximumf %add3A_16, %max3A_17 : vector<64x1536xf32>
      %get3A_19 = arith.constant 0 : index
      %get3A_20 = arith.constant 0 : index
      %get3A_21 = arith.constant 0 : index
      %get3A_22 = vector.load %arg6[%get3A_19, %get3A_20, %get3A_21] : memref<1x1536x768xf32, #tpu.memory_space<vmem>>, vector<1x1536x768xf32>
      %get3A_23 = vector.shape_cast %get3A_22 : vector<1x1536x768xf32> to vector<1536x768xf32>
      %dot_general3A_24 = arith.constant dense<0.000000e+00> : vector<64x768xf32>
      %dot_general3A_25 = tpu.matmul %max3A_18, %get3A_23, %dot_general3A_24 {dimension_numbers = #tpu.dot_dimension_numbers<[1], [0], [0], [1], [0, 0, 1, 1], [], []>, transpose_lhs_hint = false} : vector<64x1536xf32>, vector<1536x768xf32>, vector<64x768xf32> -> vector<64x768xf32>
      %get3A_26 = arith.constant 0 : index
      %get3A_27 = arith.constant 0 : index
      %get3A_28 = arith.constant 0 : index
      %get3A_29 = vector.load %arg7[%get3A_26, %get3A_27, %get3A_28] : memref<1x1x768xf32, #tpu.memory_space<vmem>>, vector<1x1x768xf32>
      %get3A_30 = vector.shape_cast %get3A_29 : vector<1x1x768xf32> to vector<1x768xf32>
      %add3A_31 = vector.broadcast %get3A_30 : vector<1x768xf32> to vector<64x768xf32>
      %add3A_32 = arith.addf %dot_general3A_25, %add3A_31 : vector<64x768xf32>
      %get3A_33 = arith.constant 0 : index
      %get3A_34 = arith.constant 768 : index
      %get3A_35 = vector.load %arg3[%get3A_33, %get3A_34] : memref<64x896xf32, #tpu.memory_space<vmem>>, vector<64x1xf32>
      %mul3A = vector.broadcast %get3A_35 : vector<64x1xf32> to vector<64x768xf32>
      %mul3A_36 = arith.mulf %add3A_32, %mul3A : vector<64x768xf32>
      %reduce_sum3A = arith.constant dense<0.000000e+00> : vector<64xf32>
      %reduce_sum3A_37 = vector.multi_reduction <add>, %mul3A_36, %reduce_sum3A [1] : vector<64x768xf32> to vector<64xf32>
      %broadcast_in_dim3A = vector.shape_cast %reduce_sum3A_37 : vector<64xf32> to vector<64x1xf32>
      %div3A = arith.constant 7.680000e+02 : f32
      %div3A_38 = vector.broadcast %div3A : f32 to vector<64x1xf32>
      %div3A_39 = arith.divf %broadcast_in_dim3A, %div3A_38 : vector<64x1xf32>
      %sub3A = vector.broadcast %div3A_39 : vector<64x1xf32> to vector<64x768xf32>
      %sub3A_40 = arith.subf %mul3A_36, %sub3A : vector<64x768xf32>
      %mul3A_41 = arith.mulf %sub3A_40, %sub3A_40 : vector<64x768xf32>
      %reduce_sum3A_42 = arith.constant dense<0.000000e+00> : vector<64xf32>
      %reduce_sum3A_43 = vector.multi_reduction <add>, %mul3A_41, %reduce_sum3A_42 [1] : vector<64x768xf32> to vector<64xf32>
      %broadcast_in_dim3A_44 = vector.shape_cast %reduce_sum3A_43 : vector<64xf32> to vector<64x1xf32>
      %div3A_45 = arith.constant 7.680000e+02 : f32
      %div3A_46 = vector.broadcast %div3A_45 : f32 to vector<64x1xf32>
      %div3A_47 = arith.divf %broadcast_in_dim3A_44, %div3A_46 : vector<64x1xf32>
      %add3A_48 = arith.constant 9.99999974E-6 : f32
      %add3A_49 = vector.broadcast %add3A_48 : f32 to vector<64x1xf32>
      %add3A_50 = arith.addf %div3A_47, %add3A_49 : vector<64x1xf32>
      %rsqrt3A = math.rsqrt %add3A_50 : vector<64x1xf32>
      %mul3A_51 = vector.broadcast %rsqrt3A : vector<64x1xf32> to vector<64x768xf32>
      %mul3A_52 = arith.mulf %sub3A_40, %mul3A_51 : vector<64x768xf32>
      %get3A_53 = arith.constant 0 : index
      %get3A_54 = arith.constant 0 : index
      %get3A_55 = vector.load %arg8[%get3A_53, %get3A_54] : memref<1x768xf32, #tpu.memory_space<vmem>>, vector<1x768xf32>
      %mul3A_56 = vector.broadcast %get3A_55 : vector<1x768xf32> to vector<64x768xf32>
      %mul3A_57 = arith.mulf %mul3A_52, %mul3A_56 : vector<64x768xf32>
      %get3A_58 = arith.constant 0 : index
      %get3A_59 = arith.constant 0 : index
      %get3A_60 = vector.load %arg9[%get3A_58, %get3A_59] : memref<1x768xf32, #tpu.memory_space<vmem>>, vector<1x768xf32>
      %add3A_61 = vector.broadcast %get3A_60 : vector<1x768xf32> to vector<64x768xf32>
      %add3A_62 = arith.addf %mul3A_57, %add3A_61 : vector<64x768xf32>
      %get3A_63 = arith.constant 0 : index
      %get3A_64 = arith.constant 0 : index
      %get3A_65 = vector.load %arg10[%get3A_63, %get3A_64] : memref<768x1024xf32, #tpu.memory_space<vmem>>, vector<768x1024xf32>
      %dot_general3A_66 = arith.constant dense<0.000000e+00> : vector<64x1024xf32>
      %dot_general3A_67 = tpu.matmul %add3A_62, %get3A_65, %dot_general3A_66 {dimension_numbers = #tpu.dot_dimension_numbers<[1], [0], [0], [1], [0, 0, 1, 1], [], []>, transpose_lhs_hint = false} : vector<64x768xf32>, vector<768x1024xf32>, vector<64x1024xf32> -> vector<64x1024xf32>
      %get3A_68 = arith.constant 0 : index
      %get3A_69 = arith.constant 0 : index
      %get3A_70 = vector.load %arg11[%get3A_68, %get3A_69] : memref<1x1024xf32, #tpu.memory_space<vmem>>, vector<1x1024xf32>
      %add3A_71 = vector.broadcast %get3A_70 : vector<1x1024xf32> to vector<64x1024xf32>
      %add3A_72 = arith.addf %dot_general3A_67, %add3A_71 : vector<64x1024xf32>
      %swap3A = arith.constant 0 : index
      %swap3A_73 = arith.constant 0 : index
      %swap3A_74 = vector.load %arg12[%swap3A, %swap3A_73] : memref<64x1024xf32, #tpu.memory_space<vmem>>, vector<64x1024xf32>
      tpu.vector_store %arg12[%swap3A, %swap3A_73], %add3A_72 {strides = array<i32>} : memref<64x1024xf32, #tpu.memory_space<vmem>>, vector<64x1024xf32>,
    } else {
    }
    return
  }
  func.func @transform_0(%arg0: i32, %arg1: memref<128xi32, #tpu.memory_space<smem>>, %arg2: memref<1xi32, #tpu.memory_space<smem>>) -> (i32, i32) {
    %get3A = arith.constant 0 : index
    %get3A_0 = memref.load %arg2[%get3A] : memref<1xi32, #tpu.memory_space<smem>>
    %sub3A = arith.constant 1 : i32
    %sub3A_1 = arith.subi %get3A_0, %sub3A : i32
    %min3A = arith.minsi %arg0, %sub3A_1 : i32
    %c0_i32 = arith.constant 0 : i32
    %c0_i32_2 = arith.constant 0 : i32
    return %min3A, %c0_i32 : i32, i32
  }
  func.func @transform_1(%arg0: i32, %arg1: memref<128xi32, #tpu.memory_space<smem>>, %arg2: memref<1xi32, #tpu.memory_space<smem>>) -> (i32, i32, i32) {
    %get3A = arith.index_cast %arg0 : i32 to index
    %get3A_0 = memref.load %arg1[%get3A] : memref<128xi32, #tpu.memory_space<smem>>
    %c0_i32 = arith.constant 0 : i32
    %c0_i32_1 = arith.constant 0 : i32
    %c0_i32_2 = arith.constant 0 : i32
    return %get3A_0, %c0_i32, %c0_i32_1 : i32, i32, i32
  }
  func.func @transform_2(%arg0: i32, %arg1: memref<128xi32, #tpu.memory_space<smem>>, %arg2: memref<1xi32, #tpu.memory_space<smem>>) -> (i32, i32, i32) {
    %get3A = arith.index_cast %arg0 : i32 to index
    %get3A_0 = memref.load %arg1[%get3A] : memref<128xi32, #tpu.memory_space<smem>>
    %c0_i32 = arith.constant 0 : i32
    %c0_i32_1 = arith.constant 0 : i32
    %c0_i32_2 = arith.constant 0 : i32
    return %get3A_0, %c0_i32, %c0_i32_1 : i32, i32, i32
  }
  func.func @transform_3(%arg0: i32, %arg1: memref<128xi32, #tpu.memory_space<smem>>, %arg2: memref<1xi32, #tpu.memory_space<smem>>) -> (i32, i32, i32) {
    %get3A = arith.index_cast %arg0 : i32 to index
    %get3A_0 = memref.load %arg1[%get3A] : memref<128xi32, #tpu.memory_space<smem>>
    %c0_i32 = arith.constant 0 : i32
    %c0_i32_1 = arith.constant 0 : i32
    %c0_i32_2 = arith.constant 0 : i32
    return %get3A_0, %c0_i32, %c0_i32_1 : i32, i32, i32
  }
  func.func @transform_4(%arg0: i32, %arg1: memref<128xi32, #tpu.memory_space<smem>>, %arg2: memref<1xi32, #tpu.memory_space<smem>>) -> (i32, i32, i32) {
    %get3A = arith.index_cast %arg0 : i32 to index
    %get3A_0 = memref.load %arg1[%get3A] : memref<128xi32, #tpu.memory_space<smem>>
    %c0_i32 = arith.constant 0 : i32
    %c0_i32_1 = arith.constant 0 : i32
    %c0_i32_2 = arith.constant 0 : i32
    return %get3A_0, %c0_i32, %c0_i32_1 : i32, i32, i32
  }
  func.func @transform_5(%arg0: i32, %arg1: memref<128xi32, #tpu.memory_space<smem>>, %arg2: memref<1xi32, #tpu.memory_space<smem>>) -> (i32, i32) {
    %c0_i32 = arith.constant 0 : i32
    %c0_i32_0 = arith.constant 0 : i32
    %c0_i32_1 = arith.constant 0 : i32
    return %c0_i32, %c0_i32_0 : i32, i32
  }
  func.func @transform_6(%arg0: i32, %arg1: memref<128xi32, #tpu.memory_space<smem>>, %arg2: memref<1xi32, #tpu.memory_space<smem>>) -> (i32, i32) {
    %c0_i32 = arith.constant 0 : i32
    %c0_i32_0 = arith.constant 0 : i32
    %c0_i32_1 = arith.constant 0 : i32
    return %c0_i32, %c0_i32_0 : i32, i32
  }
  func.func @transform_7(%arg0: i32, %arg1: memref<128xi32, #tpu.memory_space<smem>>, %arg2: memref<1xi32, #tpu.memory_space<smem>>) -> (i32, i32) {
    %c0_i32 = arith.constant 0 : i32
    %c0_i32_0 = arith.constant 0 : i32
    %c0_i32_1 = arith.constant 0 : i32
    return %c0_i32, %c0_i32_0 : i32, i32
  }
  func.func @transform_8(%arg0: i32, %arg1: memref<128xi32, #tpu.memory_space<smem>>, %arg2: memref<1xi32, #tpu.memory_space<smem>>) -> (i32, i32) {
    %c0_i32 = arith.constant 0 : i32
    %c0_i32_0 = arith.constant 0 : i32
    %c0_i32_1 = arith.constant 0 : i32
    return %c0_i32, %c0_i32_0 : i32, i32
  }
  func.func @transform_9(%arg0: i32, %arg1: memref<128xi32, #tpu.memory_space<smem>>, %arg2: memref<1xi32, #tpu.memory_space<smem>>) -> (i32, i32) {
    %get3A = arith.constant 0 : index
    %get3A_0 = memref.load %arg2[%get3A] : memref<1xi32, #tpu.memory_space<smem>>
    %sub3A = arith.constant 1 : i32
    %sub3A_1 = arith.subi %get3A_0, %sub3A : i32
    %min3A = arith.minsi %arg0, %sub3A_1 : i32
    %c0_i32 = arith.constant 0 : i32
    %c0_i32_2 = arith.constant 0 : i32
    return %min3A, %c0_i32 : i32, i32
  }
}

</mosaic_0001>

<sc_bundles>
// kernel: kernel.10.cloned.1.call-start
scs
__scs_entry_jumppad:
0x0: {  	(pc) =	sbr.rel $0x88, $3  }
0x1: {  	(tag) =	ssettag $0x0;
	lr =	simm.s32 $0x1  }
0x2: {  	[smem:$0x3F95] =	sst lr;
	_ =	strace $0xD0000000  }
0x3: {  	_ = 	snop  }
0x4: {  	_ = 	snop  }
0x5: {  	_ = 	snop  }
0x6: {  	_ = 	snop  }
0x7: {  	_ = 	snop  }
__scs_overlays_trampoline_lowered:
0x8: {  	[smem:$0x3FA4] =	sst s0  }
0x9: {  	[smem:$0x3FA5] =	sst s1  }
0xa: {  	[smem:$0x3FA6] =	sst s2  }
0xb: {  	[smem:$0x3FA7] =	sst s3  }
0xc: {  	[smem:$0x3FA8] =	sst s4  }
0xd: {  	[smem:$0x3FA9] =	sst s5  }
0xe: {  	[smem:$0x3FAA] =	sst s6  }
0xf: {  	[smem:$0x3FAB] =	sst s7  }
0x10: {  	[smem:$0x3FAC] =	sst s8  }
0x11: {  	[smem:$0x3FAD] =	sst s9;
	s0 =	simm.s32 @!p0 $0x0  }
0x12: {  	s1 =	sld [smem:$0x3F93];
	s0 =	simm.s32 @p0 $0x1  }
0x13: {  	[smem:$0x3FAE] =	sst s0;
	s0 =	simm.s32 @!p1 $0x0  }
0x14: {  	s2 =	sld [smem:$0x3F92];
	s0 =	simm.s32 @p1 $0x1  }
0x15: {  	[smem:$0x3FAF] =	sst s0;
	s0 =	simm.s32 @!p2 $0x0  }
0x16: {  	s3 =	sld [smem:$0x3FDB];
	s0 =	simm.s32 @p2 $0x1  }
0x17: {  	s4 =	simm.s32 $0x1BF5;
	[smem:$0x3FB1] =	sst s0  }
0x18: {  	s0 =	sld [smem:$0x3F94];
	_ =	swait.ge [sflag:s4], $0x0  }
0x19: {  	s7 =	sld [smem:$0x3F95]  }
0x1a: {  	s8 =	sadd.s32 $0xFFFFE003, lr  }
0x1b: {  	s9 =	sadd.s32 $0xFFFFFEF7, lr;
	s5 =	simm.s32 $0xFFFFFFFF;
	p2 =	slt.u32 s8, $0xFFFFF086  }
0x1c: {  	p1 =	slt.u32 s9, $0xF7A;
	s5 =	simm.s32 @!p2 $0x0  }
0x1d: {  	s5 =	simm.s32 @p1 $0x1;
	p0 =	seq.s32 s7, s2  }
0x1e: {  	s7 =	smul.u32 @!p0 $0xF7A, s2;
	p2 =	seq.s32 @!p0 s5, $0x0  }
0x1f: {  	s9 =	smul.u32 $0xF7A, s1;
	s8 =	simm.s32 @!p0 $0x1BF5;
	p2 =	por !p2, p0  }
0x20: {  	[sflag:s8] =	ssyncset.s32 @!p0 $0xFFFFF086;
	s6 =	sadd.s32 @!p0 s3, s7;
	s7 =	simm.s32 @!p0 $0x108  }
0x21: {  	s3 =	sadd.s32 s3, s9;
	s6 =	sadd.s32 @!p0 $0x88, s6;
	s7 =	simm.s32 @p2 $0x1082  }
0x22: {  	[simem:s7], [sflag:s8] =	dma.local @!p0 [hbm:s6], $0xF7A  }
0x23: {  	s9 =	sor.u32 $0xD0000000, s2;
	s6 =	simm.s32 $0x108;
	_ =	swait.ge @!p0 [sflag:s8], $0x0  }
0x24: {  	s3 =	sadd.s32 $0x88, s3;
	s6 =	simm.s32 @!p1 $0x1082;
	[sflag:s4] =	ssyncset.s32 $0xFFFFF086  }
0x25: {  	[simem:s6], [sflag:s4] =	dma.local [hbm:s3], $0xF7A  }
0x26: {  	[smem:$0x3F95] =	sst s1;
	(tag) =	ssettag s2;
	_ =	strace s9  }
0x27: {  	s1 =	sld [smem:$0x3FA5]  }
0x28: {  	s2 =	sld [smem:$0x3FA6]  }
0x29: {  	s4 =	sld [smem:$0x3FA8]  }
0x2a: {  	p0 =	seq.s32 s5, $0x0;
	s5 =	sld [smem:$0x3FA9]  }
0x2b: {  	s6 =	sld [smem:$0x3FAA]  }
0x2c: {  	s7 =	sld [smem:$0x3FAB]  }
0x2d: {  	s3 =	simm.s32 $0x108;
	s8 =	sld [smem:$0x3FAC]  }
0x2e: {  	s3 =	simm.s32 @!p0 $0x1082;
	s9 =	sld [smem:$0x3FAD]  }
0x2f: {  	lr =	sadd.s32 s0, s3;
	s0 =	sld [smem:$0x3FA4]  }
0x30: {  	s3 =	sld [smem:$0x3FA7]  }
0x31: {  	[smem:$0x3FB0] =	sst s10  }
0x32: {  	s10 =	sld [smem:$0x3FAE];
	_ =	sdelay $0x3  }
0x33: {  	p0 =	seq.s32 s10, $0x1;
	s10 =	sld [smem:$0x3FB0];
	_ =	sdelay $0x3  }
0x34: {  	[smem:$0x3FB0] =	sst s10  }
0x35: {  	s10 =	sld [smem:$0x3FAF];
	_ =	sdelay $0x3  }
0x36: {  	p1 =	seq.s32 s10, $0x1;
	s10 =	sld [smem:$0x3FB0];
	_ =	sdelay $0x3  }
0x37: {  	[smem:$0x3FB0] =	sst s10  }
0x38: {  	s10 =	sld [smem:$0x3FB1]  }
0x39: {  	_ = 	snop;
	(pc) =	sbr.ind lr, $3  }
0x3a: {  	_ = 	snop  }
0x3b: {  	_ = 	snop  }
0x3c: {  	p2 =	seq.s32 s10, $0x1;
	s10 =	sld [smem:$0x3FB0]  }
0x3d: {  	_ =	shalt  }
0x3e: {  	_ =	shalt  }
0x3f: {  	_ =	shalt  }
0x40: {  	_ =	shalt  }
0x41: {  	_ =	shalt  }
0x42: {  	_ =	shalt  }
0x43: {  	_ =	shalt  }
0x44: {  	_ =	shalt  }
0x45: {  	_ =	shalt  }
0x46: {  	_ =	shalt  }
0x47: {  	_ =	shalt  }
0x48: {  	_ =	shalt  }
0x49: {  	_ =	shalt  }
0x4a: {  	_ =	shalt  }
0x4b: {  	_ =	shalt  }
0x4c: {  	_ =	shalt  }
0x4d: {  	_ =	shalt  }
0x4e: {  	_ =	shalt  }
0x4f: {  	_ =	shalt  }
0x50: {  	_ =	shalt  }
0x51: {  	_ =	shalt  }
0x52: {  	_ =	shalt  }
0x53: {  	_ =	shalt  }
0x54: {  	_ =	shalt  }
0x55: {  	_ =	shalt  }
0x56: {  	_ =	shalt  }
0x57: {  	_ =	shalt  }
0x58: {  	_ =	shalt  }
0x59: {  	_ =	shalt  }
0x5a: {  	_ =	shalt  }
0x5b: {  	_ =	shalt  }
0x5c: {  	_ =	shalt  }
0x5d: {  	_ =	shalt  }
0x5e: {  	_ =	shalt  }
0x5f: {  	_ =	shalt  }
0x60: {  	_ =	shalt  }
0x61: {  	_ =	shalt  }
0x62: {  	_ =	shalt  }
0x63: {  	_ =	shalt  }
0x64: {  	_ =	shalt  }
0x65: {  	_ =	shalt  }
0x66: {  	_ =	shalt  }
0x67: {  	_ =	shalt  }
0x68: {  	_ =	shalt  }
0x69: {  	_ =	shalt  }
0x6a: {  	_ =	shalt  }
0x6b: {  	_ =	shalt  }
0x6c: {  	_ =	shalt  }
0x6d: {  	_ =	shalt  }
0x6e: {  	_ =	shalt  }
0x6f: {  	_ =	shalt  }
0x70: {  	_ =	shalt  }
0x71: {  	_ =	shalt  }
0x72: {  	_ =	shalt  }
0x73: {  	_ =	shalt  }
0x74: {  	_ =	shalt  }
0x75: {  	_ =	shalt  }
0x76: {  	_ =	shalt  }
0x77: {  	_ =	shalt  }
0x78: {  	_ =	shalt  }
0x79: {  	_ =	shalt  }
0x7a: {  	_ =	shalt  }
0x7b: {  	_ =	shalt  }
0x7c: {  	_ =	shalt  }
0x7d: {  	_ =	shalt  }
0x7e: {  	_ =	shalt  }
0x7f: {  	_ =	shalt  }
0x80: {  	_ =	shalt  }
0x81: {  	_ =	shalt  }
0x82: {  	_ =	shalt  }
0x83: {  	_ =	shalt  }
0x84: {  	_ =	shalt  }
0x85: {  	_ =	shalt  }
0x86: {  	_ =	shalt  }
0x87: {  	_ =	shalt  }
.Lfunc_end0:
.L_simem_size_0:
called_computation.1_lowered:
.L_overlay_start_0:
0x88: {  	s2 =	sld [smem:$0x3FD9]  }
0x89: {  	s3 =	sld [smem:$0x3FFE];
	_ =	sdelay $0x1  }
0x8a: {  	s1 =	srdreg.scid  }
0x8b: {  	s0 =	sand.u32 $0x1, s1  }
0x8c: {  	s17 =	sshll.u32 s0, $0xA;
	s2 =	sadd.s32 s3, s2  }
0x8d: {  	s2 =	sadd.s32 s2, s17  }
0x8e: {  	[smem:$0x3FBC] =	sst s2  }
0x8f: {  	_ = 	snop  }
0x90: {  	s2 =	sld [smem:$0x3FD0];
	(tm) =	ssettm $0x1  }
0x91: {  	s18 =	sld [smem:$0x3FFB];
	_ =	sdelay $0x3  }
0x92: {  	_ =	strace s18  }
0x93: {  	s3 =	sld [smem:$0x3FFC];
	_ =	sdelay $0x3  }
0x94: {  	_ =	strace s3  }
0x95: {  	s3 =	sld [smem:$0x3FFD];
	_ =	sdelay $0x3  }
0x96: {  	_ =	strace s3  }
0x97: {  	_ =	strace $0x8FFFFFFF  }
0x98: {  	s19 =	sld [smem:$0x3FDB];
	_ =	sdelay $0x1  }
0x99: {  	s4 =	simm.s32 $_scs_section_size  }
0x9a: {  	s5 =	simm.s32 $_size__tile_overlayer_lowered;
	s6 =	simm.s32 $_tile_overlayer_lowered  }
0x9b: {  	s22 =	simm.s32 $0x1BFF;
	s21 =	sshll.u32 s6, $0x1;
	s3 =	sadd.s32 s4, s19  }
0x9c: {  	s7 =	simm.s32 $0x0;
	s20 =	sshll.u32 s5, $0x1;
	s5 =	sadd.s32 s21, s3  }
0x9d: {  	[timem:s7], [sflag:s22] =	dma.local [hbm:s5], s20  }
0x9e: {  	_ =	swait.ge [sflag:s22], s20  }
0x9f: {  	s4 =	ssub.s32 $0x0, s20;
	[sflag:s22] =	ssyncset.done $0x0  }
0xa0: {  	[sflag:s22] =	ssyncadd.s32 s4;
	_ =	sdelay $0x1  }
0xa1: {  	s23 =	simm.s32 $0x1B8B  }
0xa2: {  	_ =	swait.ge [sflag:s23], $0x1  }
0xa3: {  	[sflag:s23] =	ssyncset.done $0x0  }
0xa4: {  	s25 =	simm.s32 $0x1B8E;
	s24 =	sld [smem:$0x3FFE];
	[sflag:s23] =	ssyncadd.s32 $0xFFFFFFFF  }
0xa5: {  	s26 =	simm.s32 $execute0_lowered;
	[smem:$0x3FD2] =	sst s25  }
0xa6: {  	s5 =	sshll.u32 s26, $0x1;
	_ =	strace $0x80000049;
	[dreg:$0x1] =	wrdreg $0xFFFFFFFF  }
0xa7: {  	s28 =	simm.s32 $_size_execute0_lowered;
	s3 =	sadd.s32 s3, s5;
	[dreg:$0x0] =	wrdreg $0x0  }
0xa8: {  	s5 =	sshll.u32 s28, $0x1;
	[dreg:$0x2] =	wrdreg s3  }
0xa9: {  	[dreg:$0x3] =	wrdreg s5  }
0xaa: {  	[dreg:$0x4] =	wrdreg $0xC0  }
0xab: {  	_ =	task [dreg:s7], $0x5FFFF  }
0xac: {  	[dreg:$0x1] =	wrdreg $0xFFFFFFFF  }
0xad: {  	[dreg:$0x0] =	wrdreg $0x60  }
0xae: {  	[dreg:$0x2] =	wrdreg s24  }
0xaf: {  	[dreg:$0x3] =	wrdreg s2  }
0xb0: {  	[dreg:$0x4] =	wrdreg $0x9  }
0xb1: {  	_ =	task.clear_ibuf [dreg:s7], $0x5FFFF;
	_ =	strace $0x90000049  }
0xb2: {  	s29 =	simm.s32 $0x9;
	_ =	strace $0x8000004B  }
0xb3: {  	_ =	swait.ge [sflag:s29], $0x1  }
0xb4: {  	[sflag:s29] =	ssyncadd.s32 $0xFFFFFFFF  }
0xb5: {  	_ =	strace $0x9000004B  }
0xb6: {  	_ =	sfence  }
0xb7: {  	s30 =	sld [smem:$0x0];
	_ =	sdelay $0x2  }
0xb8: {  	s31 =	sshll.u32 s1, $0xD;
	s1 =	sshrl.u32 s1, $0x2  }
0xb9: {  	s3 =	sand.u32 $0x4000, s31;
	s1 =	sadd.s32 s1, s30  }
0xba: {  	s0 =	sor.u32 s3, s0;
	s1 =	sshll.u32 s1, $0x11  }
0xbb: {  	s0 =	sor.u32 s1, s0  }
0xbc: {  	s0 =	sadd.s32 $0x8F2B, s0  }
0xbd: {  	[sflag:s0] =	ssyncadd.remote.s32 $0x1  }
0xbe: {  	_ =	sfence.sel $0xFFFF  }
0xbf: {  	[dreg:$0x0] =	wrdreg $0xFFFFFFFF;
	(pc) =	sbr.abs _section_cstart, $3  }
0xc0: {  	[dreg:$0x1] =	wrdreg $0xFFFFFFFF  }
0xc1: {  	_ =	task.clear_ibuf [dreg:s7], $0x2FFFF;
	_ =	strace $0x9FFFFFFF  }
0xc2: {  	(tm) =	ssettm $0x7FFFFFFF  }
0xc3: {  	_ =	shalt  }
tec
execute0_lowered:
.L_overlay_start_1:
0x0: {  	(tag) =	ssettag $0x1  }
0x1: {  	s1 =	srdreg.scid;
	s6 =	rddreg [dreg:$0x0]  }
0x2: {  	s0 =	stileid.u32;
	s3 =	rddreg [dreg:$0x1];
	s2 =	simm.s32 $0x0  }
0x3: {  	s18 =	simm.s32 $0x880;
	s19 =	simm.s32 $0x1080;
	s20 =	simm.s32 $0x1880  }
0x4: {  	s22 =	simm.s32 $0x1C80;
	s23 =	simm.s32 $0x2480;
	s7 =	simm.s32 $0x2C80  }
0x5: {  	s24 =	simm.s32 $0x3480;
	s8 =	simm.s32 $0x3880;
	[smem:$0x7FF] =	sst s2  }
0x6: {  	s25 =	simm.s32 $0x4080;
	_ =	strace $0x8000004A;
	[dreg:$0x5] =	wrdreg s18  }
0x7: {  	s26 =	simm.s32 $0x4880;
	s9 =	simm.s32 $0x80;
	[dreg:$0x6] =	wrdreg s19  }
0x8: {  	s11 =	simm.s32 $0x5480;
	s12 =	simm.s32 $0x5C80;
	[dreg:$0x7] =	wrdreg s20  }
0x9: {  	s13 =	simm.s32 $0x6480;
	s14 =	simm.s32 $0x6C80;
	[dreg:$0x8] =	wrdreg s22  }
0xa: {  	s15 =	simm.s32 $0x7080;
	s16 =	simm.s32 $0x7880;
	[dreg:$0x9] =	wrdreg s23  }
0xb: {  	s17 =	simm.s32 $0x8080;
	s28 =	simm.s32 $0xC480;
	[dreg:$0xa] =	wrdreg s7  }
0xc: {  	s29 =	simm.s32 $0xCC80;
	s30 =	simm.s32 $0xD480;
	[dreg:$0xb] =	wrdreg s24  }
0xd: {  	s31 =	simm.s32 $0xDC80;
	s1 =	sand.u32 $0x1, s1;
	[dreg:$0xc] =	wrdreg s8  }
0xe: {  	s4 =	sshll.u32 s0, $0x4;
	s5 =	sshll.u32 s1, $0x3;
	[dreg:$0xd] =	wrdreg s25  }
0xf: {  	s1 =	ssub.s32 $0x2, s1;
	s8 =	simm.s32 $0x2;
	[dreg:$0xe] =	wrdreg s26  }
0x10: {  	s18 =	simm.s32 $0x8880;
	s19 =	simm.s32 $0x8C80;
	s20 =	simm.s32 $0x9480  }
0x11: {  	s22 =	simm.s32 $0xA480;
	s23 =	simm.s32 $0xA880;
	s24 =	simm.s32 $0xB080  }
0x12: {  	s25 =	simm.s32 $0xB880;
	s26 =	simm.s32 $0xC080;
	s4 =	sor.u32 s5, s4  }
0x13: {  	s21 =	sshrl.u32 s1, $0x1;
	s5 =	sadd.s32 s4, s6;
	s4 =	smul.u32 $0x380, s4  }
0x14: {  	s1 =	ssub.s32 s1, s21;
	s21 =	simm.s32 $0x9C80;
	s5 =	sadd.s32 $0x1A00, s5  }
0x15: {  	v2 =	vlaneseq.u32;
	s7 =	smax.u32 s1, $0x1;
	s1 =	simm.s32 $0x1;
	[dreg:$0x3] =	wrdreg s5  }
0x16: {  	vm0 =	vmmov $0xffff;
	vm1 =	vmmov $0xff;
	v1 =	vshrl.u32 v2, $0x3;
	s3 =	sadd.s32 s3, s4;
	s4 =	sadd.s32 $0x1D00, s6;
	s5 =	sadd.s32 $0x1E00, s6  }
0x17: {  	v0 =	vand.u32 $0x7, v2;
	v2 =	vor.u32 $0x8, v2;
	v1 =	vmul.u32 $0x8, v1;
	[dreg:$0x4] =	wrdreg s3;
	s3 =	sadd.s32 $0x1C00, s6;
	s6 =	sadd.s32 $0x1F00, s6  }
.LBB2_1:
0x18: {  	s0 =	rddreg [dreg:$0x3]  }
0x19: {  	[tilespmem:s2], [sflag:$0x2] =	stream.linear.gather [hbm4b:s0+s2], $0x40, $0x38;
	[tilespmem:$0xE080] =	vst v63  }
0x1a: {  	_ =	swait.ge [sflag:s8], $0x40  }
0x1b: {  	[sflag:s8] =	ssyncset.done $0x0  }
0x1c: {  	s10 =	rddreg [dreg:$0x4];
	[sflag:s8] =	ssyncadd.s32 $0xFFFFFFC0  }
0x1d: {  	[tilespmem:s9], [sflag:$0x2] =	stream.linear.gather [hbm4b:s10+s2], $0xE000, $0x38;
	[tilespmem:$0xE080] =	vst v63  }
0x1e: {  	_ =	swait.ge [sflag:s8], $0xE000  }
0x1f: {  	[sflag:s8] =	ssyncset.done $0x0  }
0x20: {  	[sflag:s8] =	ssyncadd.s32 $0xFFFF2000  }
0x21: {  	v3 =	vld [tilespmem:$0x0];
	_ =	sdelay $0x4  }
0x22: {  	v4 =	vshrl.u32 v3, $0x3  }
0x23: {  	v4 =	vmul.u32 $0x38, v4  }
0x24: {  	v3 =	vand.u32 $0x7, v3  }
0x25: {  	v3 =	vor.u32 v3, v4  }
0x26: {  	v4 =	vperm.xlane v3, v0;
	_ =	sdelay $0x1  }
0x27: {  	v4 =	vadd.s32 v1, v4;
	_ =	sdelay $0x4  }
0x28: {  	[hbm4b:s3+s2] =	stream.indirect_vreg.scatter [tilespmem:s9], [sflag:$0x1], $0x80, v4, vm0, $0xb8;
	[tilespmem:$0xE080] =	vst v63  }
0x29: {  	s0 =	rddreg [dreg:$0x5];
	v3 =	vperm.xlane v3, v2  }
0x2a: {  	[hbm4b:s4+s2] =	stream.indirect_vreg.scatter [tilespmem:s0], [sflag:$0x1], $0x80, v4, vm0, $0xb8;
	[tilespmem:$0xE080] =	vst v63  }
0x2b: {  	s10 =	rddreg [dreg:$0x6];
	v3 =	vadd.s32 v1, v3  }
0x2c: {  	[hbm4b:s5+s2] =	stream.indirect_vreg.scatter [tilespmem:s10], [sflag:$0x1], $0x80, v4, vm0, $0xb8;
	[tilespmem:$0xE080] =	vst v63  }
0x2d: {  	s0 =	rddreg [dreg:$0x7]  }
0x2e: {  	[hbm4b:s6+s2] =	stream.indirect_vreg.scatter [tilespmem:s0], [sflag:$0x1], $0x80, v4, vm1, $0xb8;
	[tilespmem:$0xE080] =	vst v63  }
0x2f: {  	s10 =	rddreg [dreg:$0x8]  }
0x30: {  	[hbm4b:s3+s2] =	stream.indirect_vreg.scatter [tilespmem:s10], [sflag:$0x1], $0x80, v3, vm0, $0xb8;
	[tilespmem:$0xE080] =	vst v63  }
0x31: {  	s0 =	rddreg [dreg:$0x9]  }
0x32: {  	[hbm4b:s4+s2] =	stream.indirect_vreg.scatter [tilespmem:s0], [sflag:$0x1], $0x80, v3, vm0, $0xb8;
	[tilespmem:$0xE080] =	vst v63  }
0x33: {  	s10 =	rddreg [dreg:$0xa]  }
0x34: {  	[hbm4b:s5+s2] =	stream.indirect_vreg.scatter [tilespmem:s10], [sflag:$0x1], $0x80, v3, vm0, $0xb8;
	[tilespmem:$0xE080] =	vst v63  }
0x35: {  	s0 =	rddreg [dreg:$0xb]  }
0x36: {  	[hbm4b:s6+s2] =	stream.indirect_vreg.scatter [tilespmem:s0], [sflag:$0x1], $0x80, v3, vm1, $0xb8;
	[tilespmem:$0xE080] =	vst v63  }
0x37: {  	v3 =	vld [tilespmem:$0x10];
	_ =	sdelay $0x4  }
0x38: {  	v61 =	vshrl.u32 v3, $0x3  }
0x39: {  	v4 =	vmul.u32 $0x38, v61  }
0x3a: {  	v3 =	vand.u32 $0x7, v3  }
0x3b: {  	v3 =	vor.u32 v3, v4  }
0x3c: {  	v4 =	vperm.xlane v3, v0;
	_ =	sdelay $0x1  }
0x3d: {  	v4 =	vadd.s32 v1, v4;
	_ =	sdelay $0x3  }
0x3e: {  	s0 =	rddreg [dreg:$0xc]  }
0x3f: {  	[hbm4b:s3+s2] =	stream.indirect_vreg.scatter [tilespmem:s0], [sflag:$0x1], $0x80, v4, vm0, $0xb8;
	[tilespmem:$0xE080] =	vst v63  }
0x40: {  	s10 =	rddreg [dreg:$0xd];
	v3 =	vperm.xlane v3, v2  }
0x41: {  	[hbm4b:s4+s2] =	stream.indirect_vreg.scatter [tilespmem:s10], [sflag:$0x1], $0x80, v4, vm0, $0xb8;
	[tilespmem:$0xE080] =	vst v63  }
0x42: {  	v3 =	vadd.s32 v1, v3;
	s0 =	rddreg [dreg:$0xe]  }
0x43: {  	[hbm4b:s5+s2] =	stream.indirect_vreg.scatter [tilespmem:s0], [sflag:$0x1], $0x80, v4, vm0, $0xb8;
	[tilespmem:$0xE080] =	vst v63  }
0x44: {  	s10 =	simm.s32 $0x5080  }
0x45: {  	[hbm4b:s6+s2] =	stream.indirect_vreg.scatter [tilespmem:s10], [sflag:$0x1], $0x80, v4, vm1, $0xb8;
	[tilespmem:$0xE080] =	vst v63  }
0x46: {  	_ = 	snop  }
0x47: {  	[hbm4b:s3+s2] =	stream.indirect_vreg.scatter [tilespmem:s11], [sflag:$0x1], $0x80, v3, vm0, $0xb8;
	[tilespmem:$0xE080] =	vst v63  }
0x48: {  	_ = 	snop  }
0x49: {  	[hbm4b:s4+s2] =	stream.indirect_vreg.scatter [tilespmem:s12], [sflag:$0x1], $0x80, v3, vm0, $0xb8;
	[tilespmem:$0xE080] =	vst v63  }
0x4a: {  	_ = 	snop  }
0x4b: {  	[hbm4b:s5+s2] =	stream.indirect_vreg.scatter [tilespmem:s13], [sflag:$0x1], $0x80, v3, vm0, $0xb8;
	[tilespmem:$0xE080] =	vst v63  }
0x4c: {  	_ = 	snop  }
0x4d: {  	[hbm4b:s6+s2] =	stream.indirect_vreg.scatter [tilespmem:s14], [sflag:$0x1], $0x80, v3, vm1, $0xb8;
	[tilespmem:$0xE080] =	vst v63  }
0x4e: {  	v3 =	vld [tilespmem:$0x20];
	_ =	sdelay $0x4  }
0x4f: {  	v62 =	vshrl.u32 v3, $0x3  }
0x50: {  	v4 =	vmul.u32 $0x38, v62  }
0x51: {  	v3 =	vand.u32 $0x7, v3  }
0x52: {  	v3 =	vor.u32 v3, v4  }
0x53: {  	v4 =	vperm.xlane v3, v0;
	_ =	sdelay $0x1  }
0x54: {  	v4 =	vadd.s32 v1, v4;
	_ =	sdelay $0x4  }
0x55: {  	[hbm4b:s3+s2] =	stream.indirect_vreg.scatter [tilespmem:s15], [sflag:$0x1], $0x80, v4, vm0, $0xb8;
	[tilespmem:$0xE080] =	vst v63  }
0x56: {  	v3 =	vperm.xlane v3, v2  }
0x57: {  	[hbm4b:s4+s2] =	stream.indirect_vreg.scatter [tilespmem:s16], [sflag:$0x1], $0x80, v4, vm0, $0xb8;
	[tilespmem:$0xE080] =	vst v63  }
0x58: {  	v3 =	vadd.s32 v1, v3  }
0x59: {  	[hbm4b:s5+s2] =	stream.indirect_vreg.scatter [tilespmem:s17], [sflag:$0x1], $0x80, v4, vm0, $0xb8;
	[tilespmem:$0xE080] =	vst v63  }
0x5a: {  	_ = 	snop  }
0x5b: {  	[hbm4b:s6+s2] =	stream.indirect_vreg.scatter [tilespmem:s18], [sflag:$0x1], $0x80, v4, vm1, $0xb8;
	[tilespmem:$0xE080] =	vst v63  }
0x5c: {  	_ = 	snop  }
0x5d: {  	[hbm4b:s3+s2] =	stream.indirect_vreg.scatter [tilespmem:s19], [sflag:$0x1], $0x80, v3, vm0, $0xb8;
	[tilespmem:$0xE080] =	vst v63  }
0x5e: {  	_ = 	snop  }
0x5f: {  	[hbm4b:s4+s2] =	stream.indirect_vreg.scatter [tilespmem:s20], [sflag:$0x1], $0x80, v3, vm0, $0xb8;
	[tilespmem:$0xE080] =	vst v63  }
0x60: {  	_ = 	snop  }
0x61: {  	[hbm4b:s5+s2] =	stream.indirect_vreg.scatter [tilespmem:s21], [sflag:$0x1], $0x80, v3, vm0, $0xb8;
	[tilespmem:$0xE080] =	vst v63  }
0x62: {  	_ = 	snop  }
0x63: {  	[hbm4b:s6+s2] =	stream.indirect_vreg.scatter [tilespmem:s22], [sflag:$0x1], $0x80, v3, vm1, $0xb8;
	[tilespmem:$0xE080] =	vst v63  }
0x64: {  	v3 =	vld [tilespmem:$0x30];
	_ =	sdelay $0x4  }
0x65: {  	v63 =	vshrl.u32 v3, $0x3  }
0x66: {  	v4 =	vmul.u32 $0x38, v63  }
0x67: {  	v3 =	vand.u32 $0x7, v3  }
0x68: {  	v3 =	vor.u32 v3, v4  }
0x69: {  	v4 =	vperm.xlane v3, v0;
	_ =	sdelay $0x1  }
0x6a: {  	v4 =	vadd.s32 v1, v4;
	_ =	sdelay $0x4  }
0x6b: {  	[hbm4b:s3+s2] =	stream.indirect_vreg.scatter [tilespmem:s23], [sflag:$0x1], $0x80, v4, vm0, $0xb8;
	[tilespmem:$0xE080] =	vst v63  }
0x6c: {  	v3 =	vperm.xlane v3, v2  }
0x6d: {  	[hbm4b:s4+s2] =	stream.indirect_vreg.scatter [tilespmem:s24], [sflag:$0x1], $0x80, v4, vm0, $0xb8;
	[tilespmem:$0xE080] =	vst v63  }
0x6e: {  	v3 =	vadd.s32 v1, v3  }
0x6f: {  	[hbm4b:s5+s2] =	stream.indirect_vreg.scatter [tilespmem:s25], [sflag:$0x1], $0x80, v4, vm0, $0xb8;
	[tilespmem:$0xE080] =	vst v63  }
0x70: {  	_ = 	snop  }
0x71: {  	[hbm4b:s6+s2] =	stream.indirect_vreg.scatter [tilespmem:s26], [sflag:$0x1], $0x80, v4, vm1, $0xb8;
	[tilespmem:$0xE080] =	vst v63  }
0x72: {  	_ = 	snop  }
0x73: {  	[hbm4b:s3+s2] =	stream.indirect_vreg.scatter [tilespmem:s28], [sflag:$0x1], $0x80, v3, vm0, $0xb8;
	[tilespmem:$0xE080] =	vst v63  }
0x74: {  	_ = 	snop  }
0x75: {  	[hbm4b:s4+s2] =	stream.indirect_vreg.scatter [tilespmem:s29], [sflag:$0x1], $0x80, v3, vm0, $0xb8;
	[tilespmem:$0xE080] =	vst v63  }
0x76: {  	p0 =	sne.s32 s7, $0x1  }
0x77: {  	[hbm4b:s5+s2] =	stream.indirect_vreg.scatter [tilespmem:s30], [sflag:$0x1], $0x80, v3, vm0, $0xb8;
	[tilespmem:$0xE080] =	vst v63  }
.Ltmp0:
0x78: {  	_ = 	snop;
	(pc) =	sbr.rel @p0 .LBB2_1-.Ltmp0, $4  }
0x79: {  	[hbm4b:s6+s2] =	stream.indirect_vreg.scatter [tilespmem:s31], [sflag:$0x1], $0x80, v3, vm1, $0xb8;
	[tilespmem:$0xE080] =	vst v63  }
0x7a: {  	_ =	swait.ge [sflag:s1], $0xE000  }
0x7b: {  	[sflag:s1] =	ssyncset.done $0x0  }
0x7c: {  	s7 =	sadd.s32 $0xFFFFFFFF, s7;
	[sflag:s1] =	ssyncadd.s32 $0xFFFF2000  }
0x7d: {  	_ =	sfence.sel $0x180000  }
0x7e: {  	[bflag:$0x0] =	sbarrier.arrive $0xFFFF  }
0x7f: {  	_ =	strace $0x9000004A  }
0x80: {  	s0 =	stileid.u32;
	[bflag:$0x2] =	sbarrier.arrive $0xFFFF  }
0x81: {  	p0 =	sne.s32 s0, $0x0;
	s0 =	rddreg [dreg:$0x2]  }
0x82: {  	s0 =	sadd.s32 @!p0 $0x100000, s0  }
0x83: {  	[sflag:s0] =	ssyncadd.tile.s32 @!p0 $0x1;
	_ =	shalt  }
.Lfunc_end2:
_tile_overlayer_lowered:
.L_overlay_start_2:
0x84: {  	(tag) =	ssettag $0x2  }
0x85: {  	s0 =	rddreg [dreg:$0x0];
	s2 =	stileid.u32  }
0x86: {  	s1 =	rddreg [dreg:$0x1];
	p0 =	sne.s32 s2, $0x0  }
0x87: {  	s3 =	rddreg [dreg:$0x2];
	[bflag:$0x3] =	sbarrier.arrive $0xFFFF;
	s2 =	simm.s32 @!p0 $0x1C02  }
0x88: {  	[timem:s3], [sflag:s2] =	dma.local @!p0 [hbm:s0], s1  }
0x89: {  	s0 =	simm.s32 @!p0 $0x2  }
0x8a: {  	_ =	swait.ge @!p0 [sflag:s0], s1  }
0x8b: {  	s1 =	ssub.s32 @!p0 $0x0, s1;
	[sflag:s0] =	ssyncset.done @!p0 $0x0  }
0x8c: {  	[sflag:s0] =	ssyncadd.s32 @!p0 s1  }
0x8d: {  	[bflag:$0x3] =	sbarrier.arrive $0xFFFF  }
0x8e: {  	_ =	shalt  }

// kernel: kernel.13.cloned.1.call-start
scs
__scs_entry_jumppad:
0x0: {  	(pc) =	sbr.rel $0x88, $3  }
0x1: {  	(tag) =	ssettag $0x0;
	lr =	simm.s32 $0x1  }
0x2: {  	[smem:$0x3F95] =	sst lr;
	_ =	strace $0xD0000000  }
0x3: {  	_ = 	snop  }
0x4: {  	_ = 	snop  }
0x5: {  	_ = 	snop  }
0x6: {  	_ = 	snop  }
0x7: {  	_ = 	snop  }
__scs_overlays_trampoline_lowered:
0x8: {  	[smem:$0x3FA4] =	sst s0  }
0x9: {  	[smem:$0x3FA5] =	sst s1  }
0xa: {  	[smem:$0x3FA6] =	sst s2  }
0xb: {  	[smem:$0x3FA7] =	sst s3  }
0xc: {  	[smem:$0x3FA8] =	sst s4  }
0xd: {  	[smem:$0x3FA9] =	sst s5  }
0xe: {  	[smem:$0x3FAA] =	sst s6  }
0xf: {  	[smem:$0x3FAB] =	sst s7  }
0x10: {  	[smem:$0x3FAC] =	sst s8  }
0x11: {  	[smem:$0x3FAD] =	sst s9;
	s0 =	simm.s32 @!p0 $0x0  }
0x12: {  	s1 =	sld [smem:$0x3F93];
	s0 =	simm.s32 @p0 $0x1  }
0x13: {  	[smem:$0x3FAE] =	sst s0;
	s0 =	simm.s32 @!p1 $0x0  }
0x14: {  	s2 =	sld [smem:$0x3F92];
	s0 =	simm.s32 @p1 $0x1  }
0x15: {  	[smem:$0x3FAF] =	sst s0;
	s0 =	simm.s32 @!p2 $0x0  }
0x16: {  	s3 =	sld [smem:$0x3FDB];
	s0 =	simm.s32 @p2 $0x1  }
0x17: {  	s4 =	simm.s32 $0x1BF5;
	[smem:$0x3FB1] =	sst s0  }
0x18: {  	s0 =	sld [smem:$0x3F94];
	_ =	swait.ge [sflag:s4], $0x0  }
0x19: {  	s7 =	sld [smem:$0x3F95]  }
0x1a: {  	s8 =	sadd.s32 $0xFFFFE003, lr  }
0x1b: {  	s9 =	sadd.s32 $0xFFFFFEF7, lr;
	s5 =	simm.s32 $0xFFFFFFFF;
	p2 =	slt.u32 s8, $0xFFFFF086  }
0x1c: {  	p1 =	slt.u32 s9, $0xF7A;
	s5 =	simm.s32 @!p2 $0x0  }
0x1d: {  	s5 =	simm.s32 @p1 $0x1;
	p0 =	seq.s32 s7, s2  }
0x1e: {  	s7 =	smul.u32 @!p0 $0xF7A, s2;
	p2 =	seq.s32 @!p0 s5, $0x0  }
0x1f: {  	s9 =	smul.u32 $0xF7A, s1;
	s8 =	simm.s32 @!p0 $0x1BF5;
	p2 =	por !p2, p0  }
0x20: {  	[sflag:s8] =	ssyncset.s32 @!p0 $0xFFFFF086;
	s6 =	sadd.s32 @!p0 s3, s7;
	s7 =	simm.s32 @!p0 $0x108  }
0x21: {  	s3 =	sadd.s32 s3, s9;
	s6 =	sadd.s32 @!p0 $0x88, s6;
	s7 =	simm.s32 @p2 $0x1082  }
0x22: {  	[simem:s7], [sflag:s8] =	dma.local @!p0 [hbm:s6], $0xF7A  }
0x23: {  	s9 =	sor.u32 $0xD0000000, s2;
	s6 =	simm.s32 $0x108;
	_ =	swait.ge @!p0 [sflag:s8], $0x0  }
0x24: {  	s3 =	sadd.s32 $0x88, s3;
	s6 =	simm.s32 @!p1 $0x1082;
	[sflag:s4] =	ssyncset.s32 $0xFFFFF086  }
0x25: {  	[simem:s6], [sflag:s4] =	dma.local [hbm:s3], $0xF7A  }
0x26: {  	[smem:$0x3F95] =	sst s1;
	(tag) =	ssettag s2;
	_ =	strace s9  }
0x27: {  	s1 =	sld [smem:$0x3FA5]  }
0x28: {  	s2 =	sld [smem:$0x3FA6]  }
0x29: {  	s4 =	sld [smem:$0x3FA8]  }
0x2a: {  	p0 =	seq.s32 s5, $0x0;
	s5 =	sld [smem:$0x3FA9]  }
0x2b: {  	s6 =	sld [smem:$0x3FAA]  }
0x2c: {  	s7 =	sld [smem:$0x3FAB]  }
0x2d: {  	s3 =	simm.s32 $0x108;
	s8 =	sld [smem:$0x3FAC]  }
0x2e: {  	s3 =	simm.s32 @!p0 $0x1082;
	s9 =	sld [smem:$0x3FAD]  }
0x2f: {  	lr =	sadd.s32 s0, s3;
	s0 =	sld [smem:$0x3FA4]  }
0x30: {  	s3 =	sld [smem:$0x3FA7]  }
0x31: {  	[smem:$0x3FB0] =	sst s10  }
0x32: {  	s10 =	sld [smem:$0x3FAE];
	_ =	sdelay $0x3  }
0x33: {  	p0 =	seq.s32 s10, $0x1;
	s10 =	sld [smem:$0x3FB0];
	_ =	sdelay $0x3  }
0x34: {  	[smem:$0x3FB0] =	sst s10  }
0x35: {  	s10 =	sld [smem:$0x3FAF];
	_ =	sdelay $0x3  }
0x36: {  	p1 =	seq.s32 s10, $0x1;
	s10 =	sld [smem:$0x3FB0];
	_ =	sdelay $0x3  }
0x37: {  	[smem:$0x3FB0] =	sst s10  }
0x38: {  	s10 =	sld [smem:$0x3FB1]  }
0x39: {  	_ = 	snop;
	(pc) =	sbr.ind lr, $3  }
0x3a: {  	_ = 	snop  }
0x3b: {  	_ = 	snop  }
0x3c: {  	p2 =	seq.s32 s10, $0x1;
	s10 =	sld [smem:$0x3FB0]  }
0x3d: {  	_ =	shalt  }
0x3e: {  	_ =	shalt  }
0x3f: {  	_ =	shalt  }
0x40: {  	_ =	shalt  }
0x41: {  	_ =	shalt  }
0x42: {  	_ =	shalt  }
0x43: {  	_ =	shalt  }
0x44: {  	_ =	shalt  }
0x45: {  	_ =	shalt  }
0x46: {  	_ =	shalt  }
0x47: {  	_ =	shalt  }
0x48: {  	_ =	shalt  }
0x49: {  	_ =	shalt  }
0x4a: {  	_ =	shalt  }
0x4b: {  	_ =	shalt  }
0x4c: {  	_ =	shalt  }
0x4d: {  	_ =	shalt  }
0x4e: {  	_ =	shalt  }
0x4f: {  	_ =	shalt  }
0x50: {  	_ =	shalt  }
0x51: {  	_ =	shalt  }
0x52: {  	_ =	shalt  }
0x53: {  	_ =	shalt  }
0x54: {  	_ =	shalt  }
0x55: {  	_ =	shalt  }
0x56: {  	_ =	shalt  }
0x57: {  	_ =	shalt  }
0x58: {  	_ =	shalt  }
0x59: {  	_ =	shalt  }
0x5a: {  	_ =	shalt  }
0x5b: {  	_ =	shalt  }
0x5c: {  	_ =	shalt  }
0x5d: {  	_ =	shalt  }
0x5e: {  	_ =	shalt  }
0x5f: {  	_ =	shalt  }
0x60: {  	_ =	shalt  }
0x61: {  	_ =	shalt  }
0x62: {  	_ =	shalt  }
0x63: {  	_ =	shalt  }
0x64: {  	_ =	shalt  }
0x65: {  	_ =	shalt  }
0x66: {  	_ =	shalt  }
0x67: {  	_ =	shalt  }
0x68: {  	_ =	shalt  }
0x69: {  	_ =	shalt  }
0x6a: {  	_ =	shalt  }
0x6b: {  	_ =	shalt  }
0x6c: {  	_ =	shalt  }
0x6d: {  	_ =	shalt  }
0x6e: {  	_ =	shalt  }
0x6f: {  	_ =	shalt  }
0x70: {  	_ =	shalt  }
0x71: {  	_ =	shalt  }
0x72: {  	_ =	shalt  }
0x73: {  	_ =	shalt  }
0x74: {  	_ =	shalt  }
0x75: {  	_ =	shalt  }
0x76: {  	_ =	shalt  }
0x77: {  	_ =	shalt  }
0x78: {  	_ =	shalt  }
0x79: {  	_ =	shalt  }
0x7a: {  	_ =	shalt  }
0x7b: {  	_ =	shalt  }
0x7c: {  	_ =	shalt  }
0x7d: {  	_ =	shalt  }
0x7e: {  	_ =	shalt  }
0x7f: {  	_ =	shalt  }
0x80: {  	_ =	shalt  }
0x81: {  	_ =	shalt  }
0x82: {  	_ =	shalt  }
0x83: {  	_ =	shalt  }
0x84: {  	_ =	shalt  }
0x85: {  	_ =	shalt  }
0x86: {  	_ =	shalt  }
0x87: {  	_ =	shalt  }
.Lfunc_end0:
.L_simem_size_0:
called_computation.2_lowered:
.L_overlay_start_0:
0x88: {  	s2 =	sld [smem:$0x3FD9]  }
0x89: {  	s3 =	sld [smem:$0x3FFE];
	_ =	sdelay $0x1  }
0x8a: {  	s1 =	srdreg.scid  }
0x8b: {  	s0 =	sand.u32 $0x1, s1  }
0x8c: {  	s16 =	sshll.u32 s0, $0xA;
	s2 =	sadd.s32 s3, s2  }
0x8d: {  	s2 =	sadd.s32 s2, s16  }
0x8e: {  	[smem:$0x3FBC] =	sst s2  }
0x8f: {  	_ = 	snop  }
0x90: {  	(tm) =	ssettm $0x1  }
0x91: {  	s17 =	sld [smem:$0x3FFB];
	_ =	sdelay $0x3  }
0x92: {  	_ =	strace s17  }
0x93: {  	s2 =	sld [smem:$0x3FFC];
	_ =	sdelay $0x3  }
0x94: {  	_ =	strace s2  }
0x95: {  	s2 =	sld [smem:$0x3FFD];
	_ =	sdelay $0x3  }
0x96: {  	_ =	strace s2  }
0x97: {  	_ =	strace $0x8FFFFFFF  }
0x98: {  	s18 =	sld [smem:$0x3FDB];
	_ =	sdelay $0x1  }
0x99: {  	s19 =	simm.s32 $_scs_section_size  }
0x9a: {  	s4 =	simm.s32 $_size__tile_overlayer_lowered;
	s5 =	simm.s32 $_tile_overlayer_lowered  }
0x9b: {  	s22 =	simm.s32 $0x1BFF;
	s21 =	sshll.u32 s5, $0x1;
	s2 =	sadd.s32 s19, s18  }
0x9c: {  	s6 =	simm.s32 $0x0;
	s20 =	sshll.u32 s4, $0x1;
	s4 =	sadd.s32 s21, s2  }
0x9d: {  	[timem:s6], [sflag:s22] =	dma.local [hbm:s4], s20  }
0x9e: {  	_ =	swait.ge [sflag:s22], s20  }
0x9f: {  	s3 =	ssub.s32 $0x0, s20;
	[sflag:s22] =	ssyncset.done $0x0  }
0xa0: {  	[sflag:s22] =	ssyncadd.s32 s3;
	_ =	sdelay $0x1  }
0xa1: {  	s23 =	simm.s32 $0x1B8B  }
0xa2: {  	_ =	swait.ge [sflag:s23], $0x1  }
0xa3: {  	[sflag:s23] =	ssyncset.done $0x0  }
0xa4: {  	s25 =	simm.s32 $0x1B8E;
	s24 =	sld [smem:$0x3FFE];
	[sflag:s23] =	ssyncadd.s32 $0xFFFFFFFF  }
0xa5: {  	s26 =	simm.s32 $execute0_lowered;
	[smem:$0x3FD2] =	sst s25  }
0xa6: {  	s4 =	sshll.u32 s26, $0x1;
	_ =	strace $0x8000004C;
	[dreg:$0x1] =	wrdreg $0xFFFFFFFF  }
0xa7: {  	s28 =	simm.s32 $_size_execute0_lowered;
	s2 =	sadd.s32 s2, s4;
	[dreg:$0x0] =	wrdreg $0x0  }
0xa8: {  	s4 =	sshll.u32 s28, $0x1;
	[dreg:$0x2] =	wrdreg s2  }
0xa9: {  	[dreg:$0x3] =	wrdreg s4  }
0xaa: {  	[dreg:$0x4] =	wrdreg $0xC0  }
0xab: {  	_ =	task [dreg:s6], $0x5FFFF  }
0xac: {  	[dreg:$0x1] =	wrdreg $0xFFFFFFFF  }
0xad: {  	[dreg:$0x0] =	wrdreg $0x60  }
0xae: {  	[dreg:$0x2] =	wrdreg s24  }
0xaf: {  	[dreg:$0x3] =	wrdreg $0x9  }
0xb0: {  	_ =	task.clear_ibuf [dreg:s6], $0x4FFFF;
	_ =	strace $0x9000004C  }
0xb1: {  	s29 =	simm.s32 $0x9;
	_ =	strace $0x8000004E  }
0xb2: {  	_ =	swait.ge [sflag:s29], $0x1  }
0xb3: {  	[sflag:s29] =	ssyncadd.s32 $0xFFFFFFFF  }
0xb4: {  	_ =	strace $0x9000004E  }
0xb5: {  	_ =	sfence  }
0xb6: {  	s30 =	sld [smem:$0x0];
	_ =	sdelay $0x2  }
0xb7: {  	s31 =	sshll.u32 s1, $0xD;
	s1 =	sshrl.u32 s1, $0x2  }
0xb8: {  	s3 =	sand.u32 $0x4000, s31;
	s1 =	sadd.s32 s1, s30  }
0xb9: {  	s0 =	sor.u32 s3, s0;
	s1 =	sshll.u32 s1, $0x11  }
0xba: {  	s0 =	sor.u32 s1, s0  }
0xbb: {  	s0 =	sadd.s32 $0x8F2B, s0  }
0xbc: {  	[sflag:s0] =	ssyncadd.remote.s32 $0x1  }
0xbd: {  	_ =	sfence.sel $0xFFFF  }
0xbe: {  	[dreg:$0x0] =	wrdreg $0xFFFFFFFF;
	(pc) =	sbr.abs _section_cstart, $3  }
0xbf: {  	[dreg:$0x1] =	wrdreg $0xFFFFFFFF  }
0xc0: {  	_ =	task.clear_ibuf [dreg:s6], $0x2FFFF;
	_ =	strace $0x9FFFFFFF  }
0xc1: {  	(tm) =	ssettm $0x7FFFFFFF  }
tec
execute0_lowered:
.L_overlay_start_1:
0x0: {  	(tag) =	ssettag $0x1  }
0x1: {  	s1 =	srdreg.scid  }
0x2: {  	s0 =	stileid.u32;
	s6 =	rddreg [dreg:$0x0]  }
0x3: {  	s19 =	simm.s32 $0x880;
	s20 =	simm.s32 $0x1080;
	s21 =	simm.s32 $0x1880  }
0x4: {  	s22 =	simm.s32 $0x2080;
	s23 =	simm.s32 $0x2880;
	s7 =	simm.s32 $0x3080  }
0x5: {  	s24 =	simm.s32 $0x3880;
	s8 =	simm.s32 $0x4080;
	s25 =	simm.s32 $0x4880  }
0x6: {  	s26 =	simm.s32 $0x5080;
	s9 =	simm.s32 $0x80;
	s1 =	sand.u32 $0x1, s1  }
0x7: {  	s11 =	simm.s32 $0x6080;
	s2 =	sshll.u32 s0, $0x7;
	s3 =	sshll.u32 s1, $0x6  }
0x8: {  	s12 =	simm.s32 $0x6880;
	s3 =	sor.u32 s3, s2;
	s2 =	simm.s32 $0x0  }
0x9: {  	s13 =	simm.s32 $0x7080;
	s14 =	simm.s32 $0x7880;
	[smem:$0x7FF] =	sst s2  }
0xa: {  	s15 =	simm.s32 $0x8080;
	_ =	strace $0x8000004D;
	[dreg:$0x4] =	wrdreg s19  }
0xb: {  	s16 =	simm.s32 $0x8880;
	s17 =	simm.s32 $0x9080;
	[dreg:$0x5] =	wrdreg s20  }
0xc: {  	s18 =	simm.s32 $0x9880;
	s28 =	simm.s32 $0xE080;
	[dreg:$0x6] =	wrdreg s21  }
0xd: {  	s29 =	simm.s32 $0xE880;
	s30 =	simm.s32 $0xF080;
	[dreg:$0x7] =	wrdreg s22  }
0xe: {  	s31 =	simm.s32 $0xF880;
	s1 =	ssub.s32 $0x2, s1;
	[dreg:$0x8] =	wrdreg s23  }
0xf: {  	s5 =	sshrl.u32 s1, $0x1;
	s4 =	sshrl.u32 s3, $0x3;
	[dreg:$0x9] =	wrdreg s7  }
0x10: {  	s3 =	sshll.u32 s3, $0x7;
	s1 =	ssub.s32 s1, s5;
	[dreg:$0xa] =	wrdreg s24  }
0x11: {  	s5 =	sadd.s32 $0xA8200, s6;
	s4 =	sadd.s32 s4, s6;
	[dreg:$0xb] =	wrdreg s8  }
0x12: {  	s3 =	sadd.s32 s3, s6;
	s7 =	smax.u32 s1, $0x1;
	[dreg:$0xc] =	wrdreg s25  }
0x13: {  	s8 =	simm.s32 $0x2;
	[dreg:$0xd] =	wrdreg s26;
	s19 =	simm.s32 $0xA080  }
0x14: {  	s20 =	simm.s32 $0xA880;
	s21 =	simm.s32 $0xB080;
	s22 =	simm.s32 $0xB880  }
0x15: {  	s23 =	simm.s32 $0xC080;
	s24 =	simm.s32 $0xC880;
	s4 =	sadd.s32 $0x1A00, s4  }
0x16: {  	v2 =	vlaneseq.u32;
	s25 =	simm.s32 $0xD080;
	s3 =	sadd.s32 $0x1C00, s3;
	[dreg:$0x2] =	wrdreg s4  }
0x17: {  	vm0 =	vmmov $0xffff;
	v1 =	vshrl.u32 v2, $0x3;
	s26 =	simm.s32 $0xD880;
	s1 =	simm.s32 $0x1;
	[dreg:$0x3] =	wrdreg s3  }
0x18: {  	v0 =	vand.u32 $0x7, v2;
	v2 =	vor.u32 $0x8, v2;
	v1 =	vmul.u32 $0x8, v1;
	s3 =	sadd.s32 $0xA8000, s6;
	s4 =	sadd.s32 $0xA8100, s6;
	s6 =	sadd.s32 $0xA8300, s6  }
.LBB2_1:
0x19: {  	s0 =	rddreg [dreg:$0x2]  }
0x1a: {  	[tilespmem:s2], [sflag:$0x2] =	stream.linear.gather [hbm4b:s0+s2], $0x40, $0x38;
	[tilespmem:$0x10080] =	vst v63  }
0x1b: {  	_ =	swait.ge [sflag:s8], $0x40  }
0x1c: {  	[sflag:s8] =	ssyncset.done $0x0  }
0x1d: {  	[sflag:s8] =	ssyncadd.s32 $0xFFFFFFC0  }
0x1e: {  	v3 =	vld [tilespmem:$0x0];
	_ =	sdelay $0x4  }
0x1f: {  	v4 =	vshll.u32 v3, $0x3  }
0x20: {  	v3 =	vand.u32 $0x7, v3;
	v4 =	vand.u32 $0xFFFFFFC0, v4  }
0x21: {  	v3 =	vor.u32 v3, v4  }
0x22: {  	v4 =	vperm.xlane v3, v0;
	_ =	sdelay $0x1  }
0x23: {  	v4 =	vadd.s32 v1, v4;
	_ =	sdelay $0x4  }
0x24: {  	[tilespmem:s9], [sflag:$0x1] =	stream.indirect_vreg.gather [hbm4b:s3+s2], $0x80, v4, vm0, $0xb8;
	[tilespmem:$0x10080] =	vst v63  }
0x25: {  	s0 =	rddreg [dreg:$0x4];
	v3 =	vperm.xlane v3, v2  }
0x26: {  	[tilespmem:s0], [sflag:$0x1] =	stream.indirect_vreg.gather [hbm4b:s4+s2], $0x80, v4, vm0, $0xb8;
	[tilespmem:$0x10080] =	vst v63  }
0x27: {  	s10 =	rddreg [dreg:$0x5];
	v3 =	vadd.s32 v1, v3  }
0x28: {  	[tilespmem:s10], [sflag:$0x1] =	stream.indirect_vreg.gather [hbm4b:s5+s2], $0x80, v4, vm0, $0xb8;
	[tilespmem:$0x10080] =	vst v63  }
0x29: {  	s0 =	rddreg [dreg:$0x6]  }
0x2a: {  	[tilespmem:s0], [sflag:$0x1] =	stream.indirect_vreg.gather [hbm4b:s6+s2], $0x80, v4, vm0, $0xb8;
	[tilespmem:$0x10080] =	vst v63  }
0x2b: {  	s10 =	rddreg [dreg:$0x7]  }
0x2c: {  	[tilespmem:s10], [sflag:$0x1] =	stream.indirect_vreg.gather [hbm4b:s3+s2], $0x80, v3, vm0, $0xb8;
	[tilespmem:$0x10080] =	vst v63  }
0x2d: {  	s0 =	rddreg [dreg:$0x8]  }
0x2e: {  	[tilespmem:s0], [sflag:$0x1] =	stream.indirect_vreg.gather [hbm4b:s4+s2], $0x80, v3, vm0, $0xb8;
	[tilespmem:$0x10080] =	vst v63  }
0x2f: {  	s10 =	rddreg [dreg:$0x9]  }
0x30: {  	[tilespmem:s10], [sflag:$0x1] =	stream.indirect_vreg.gather [hbm4b:s5+s2], $0x80, v3, vm0, $0xb8;
	[tilespmem:$0x10080] =	vst v63  }
0x31: {  	s0 =	rddreg [dreg:$0xa]  }
0x32: {  	[tilespmem:s0], [sflag:$0x1] =	stream.indirect_vreg.gather [hbm4b:s6+s2], $0x80, v3, vm0, $0xb8;
	[tilespmem:$0x10080] =	vst v63  }
0x33: {  	v3 =	vld [tilespmem:$0x10];
	_ =	sdelay $0x4  }
0x34: {  	v61 =	vshll.u32 v3, $0x3  }
0x35: {  	v3 =	vand.u32 $0x7, v3;
	v4 =	vand.u32 $0xFFFFFFC0, v61  }
0x36: {  	v3 =	vor.u32 v3, v4  }
0x37: {  	v4 =	vperm.xlane v3, v0;
	_ =	sdelay $0x1  }
0x38: {  	v4 =	vadd.s32 v1, v4;
	_ =	sdelay $0x3  }
0x39: {  	s0 =	rddreg [dreg:$0xb]  }
0x3a: {  	[tilespmem:s0], [sflag:$0x1] =	stream.indirect_vreg.gather [hbm4b:s3+s2], $0x80, v4, vm0, $0xb8;
	[tilespmem:$0x10080] =	vst v63  }
0x3b: {  	s10 =	rddreg [dreg:$0xc];
	v3 =	vperm.xlane v3, v2  }
0x3c: {  	[tilespmem:s10], [sflag:$0x1] =	stream.indirect_vreg.gather [hbm4b:s4+s2], $0x80, v4, vm0, $0xb8;
	[tilespmem:$0x10080] =	vst v63  }
0x3d: {  	v3 =	vadd.s32 v1, v3;
	s0 =	rddreg [dreg:$0xd]  }
0x3e: {  	[tilespmem:s0], [sflag:$0x1] =	stream.indirect_vreg.gather [hbm4b:s5+s2], $0x80, v4, vm0, $0xb8;
	[tilespmem:$0x10080] =	vst v63  }
0x3f: {  	s10 =	simm.s32 $0x5880  }
0x40: {  	[tilespmem:s10], [sflag:$0x1] =	stream.indirect_vreg.gather [hbm4b:s6+s2], $0x80, v4, vm0, $0xb8;
	[tilespmem:$0x10080] =	vst v63  }
0x41: {  	_ = 	snop  }
0x42: {  	[tilespmem:s11], [sflag:$0x1] =	stream.indirect_vreg.gather [hbm4b:s3+s2], $0x80, v3, vm0, $0xb8;
	[tilespmem:$0x10080] =	vst v63  }
0x43: {  	_ = 	snop  }
0x44: {  	[tilespmem:s12], [sflag:$0x1] =	stream.indirect_vreg.gather [hbm4b:s4+s2], $0x80, v3, vm0, $0xb8;
	[tilespmem:$0x10080] =	vst v63  }
0x45: {  	_ = 	snop  }
0x46: {  	[tilespmem:s13], [sflag:$0x1] =	stream.indirect_vreg.gather [hbm4b:s5+s2], $0x80, v3, vm0, $0xb8;
	[tilespmem:$0x10080] =	vst v63  }
0x47: {  	_ = 	snop  }
0x48: {  	[tilespmem:s14], [sflag:$0x1] =	stream.indirect_vreg.gather [hbm4b:s6+s2], $0x80, v3, vm0, $0xb8;
	[tilespmem:$0x10080] =	vst v63  }
0x49: {  	v3 =	vld [tilespmem:$0x20];
	_ =	sdelay $0x4  }
0x4a: {  	v62 =	vshll.u32 v3, $0x3  }
0x4b: {  	v3 =	vand.u32 $0x7, v3;
	v4 =	vand.u32 $0xFFFFFFC0, v62  }
0x4c: {  	v3 =	vor.u32 v3, v4  }
0x4d: {  	v4 =	vperm.xlane v3, v0;
	_ =	sdelay $0x1  }
0x4e: {  	v4 =	vadd.s32 v1, v4;
	_ =	sdelay $0x4  }
0x4f: {  	[tilespmem:s15], [sflag:$0x1] =	stream.indirect_vreg.gather [hbm4b:s3+s2], $0x80, v4, vm0, $0xb8;
	[tilespmem:$0x10080] =	vst v63  }
0x50: {  	v3 =	vperm.xlane v3, v2  }
0x51: {  	[tilespmem:s16], [sflag:$0x1] =	stream.indirect_vreg.gather [hbm4b:s4+s2], $0x80, v4, vm0, $0xb8;
	[tilespmem:$0x10080] =	vst v63  }
0x52: {  	v3 =	vadd.s32 v1, v3  }
0x53: {  	[tilespmem:s17], [sflag:$0x1] =	stream.indirect_vreg.gather [hbm4b:s5+s2], $0x80, v4, vm0, $0xb8;
	[tilespmem:$0x10080] =	vst v63  }
0x54: {  	_ = 	snop  }
0x55: {  	[tilespmem:s18], [sflag:$0x1] =	stream.indirect_vreg.gather [hbm4b:s6+s2], $0x80, v4, vm0, $0xb8;
	[tilespmem:$0x10080] =	vst v63  }
0x56: {  	_ = 	snop  }
0x57: {  	[tilespmem:s19], [sflag:$0x1] =	stream.indirect_vreg.gather [hbm4b:s3+s2], $0x80, v3, vm0, $0xb8;
	[tilespmem:$0x10080] =	vst v63  }
0x58: {  	_ = 	snop  }
0x59: {  	[tilespmem:s20], [sflag:$0x1] =	stream.indirect_vreg.gather [hbm4b:s4+s2], $0x80, v3, vm0, $0xb8;
	[tilespmem:$0x10080] =	vst v63  }
0x5a: {  	_ = 	snop  }
0x5b: {  	[tilespmem:s21], [sflag:$0x1] =	stream.indirect_vreg.gather [hbm4b:s5+s2], $0x80, v3, vm0, $0xb8;
	[tilespmem:$0x10080] =	vst v63  }
0x5c: {  	_ = 	snop  }
0x5d: {  	[tilespmem:s22], [sflag:$0x1] =	stream.indirect_vreg.gather [hbm4b:s6+s2], $0x80, v3, vm0, $0xb8;
	[tilespmem:$0x10080] =	vst v63  }
0x5e: {  	v3 =	vld [tilespmem:$0x30];
	_ =	sdelay $0x4  }
0x5f: {  	v63 =	vshll.u32 v3, $0x3  }
0x60: {  	v3 =	vand.u32 $0x7, v3;
	v4 =	vand.u32 $0xFFFFFFC0, v63  }
0x61: {  	v3 =	vor.u32 v3, v4  }
0x62: {  	v4 =	vperm.xlane v3, v0;
	_ =	sdelay $0x1  }
0x63: {  	v4 =	vadd.s32 v1, v4;
	_ =	sdelay $0x4  }
0x64: {  	[tilespmem:s23], [sflag:$0x1] =	stream.indirect_vreg.gather [hbm4b:s3+s2], $0x80, v4, vm0, $0xb8;
	[tilespmem:$0x10080] =	vst v63  }
0x65: {  	v3 =	vperm.xlane v3, v2  }
0x66: {  	[tilespmem:s24], [sflag:$0x1] =	stream.indirect_vreg.gather [hbm4b:s4+s2], $0x80, v4, vm0, $0xb8;
	[tilespmem:$0x10080] =	vst v63  }
0x67: {  	v3 =	vadd.s32 v1, v3  }
0x68: {  	[tilespmem:s25], [sflag:$0x1] =	stream.indirect_vreg.gather [hbm4b:s5+s2], $0x80, v4, vm0, $0xb8;
	[tilespmem:$0x10080] =	vst v63  }
0x69: {  	_ = 	snop  }
0x6a: {  	[tilespmem:s26], [sflag:$0x1] =	stream.indirect_vreg.gather [hbm4b:s6+s2], $0x80, v4, vm0, $0xb8;
	[tilespmem:$0x10080] =	vst v63  }
0x6b: {  	_ = 	snop  }
0x6c: {  	[tilespmem:s28], [sflag:$0x1] =	stream.indirect_vreg.gather [hbm4b:s3+s2], $0x80, v3, vm0, $0xb8;
	[tilespmem:$0x10080] =	vst v63  }
0x6d: {  	_ = 	snop  }
0x6e: {  	[tilespmem:s29], [sflag:$0x1] =	stream.indirect_vreg.gather [hbm4b:s4+s2], $0x80, v3, vm0, $0xb8;
	[tilespmem:$0x10080] =	vst v63  }
0x6f: {  	_ = 	snop  }
0x70: {  	[tilespmem:s30], [sflag:$0x1] =	stream.indirect_vreg.gather [hbm4b:s5+s2], $0x80, v3, vm0, $0xb8;
	[tilespmem:$0x10080] =	vst v63  }
0x71: {  	_ = 	snop  }
0x72: {  	[tilespmem:s31], [sflag:$0x1] =	stream.indirect_vreg.gather [hbm4b:s6+s2], $0x80, v3, vm0, $0xb8;
	[tilespmem:$0x10080] =	vst v63  }
0x73: {  	_ =	swait.ge [sflag:s1], $0x10000  }
0x74: {  	p0 =	sne.s32 s7, $0x1;
	[sflag:s1] =	ssyncset.done $0x0  }
.Ltmp0:
0x75: {  	s10 =	rddreg [dreg:$0x3];
	[sflag:s1] =	ssyncadd.s32 $0xFFFF0000;
	(pc) =	sbr.rel @p0 .LBB2_1-.Ltmp0, $4  }
0x76: {  	[hbm4b:s10+s2] =	stream.linear.scatter [tilespmem:s9], [sflag:$0x2], $0x10000, $0x38;
	[tilespmem:$0x10080] =	vst v63  }
0x77: {  	_ =	swait.ge [sflag:s8], $0x10000  }
0x78: {  	[sflag:s8] =	ssyncset.done $0x0  }
0x79: {  	s7 =	sadd.s32 $0xFFFFFFFF, s7;
	[sflag:s8] =	ssyncadd.s32 $0xFFFF0000  }
0x7a: {  	_ =	sfence.sel $0x180000  }
0x7b: {  	[bflag:$0x0] =	sbarrier.arrive $0xFFFF  }
0x7c: {  	_ =	strace $0x9000004D  }
0x7d: {  	s0 =	stileid.u32;
	[bflag:$0x2] =	sbarrier.arrive $0xFFFF  }
0x7e: {  	p0 =	sne.s32 s0, $0x0;
	s0 =	rddreg [dreg:$0x1]  }
0x7f: {  	s0 =	sadd.s32 @!p0 $0x100000, s0  }
0x80: {  	[sflag:s0] =	ssyncadd.tile.s32 @!p0 $0x1;
	_ =	shalt  }
.Lfunc_end2:
_tile_overlayer_lowered:
.L_overlay_start_2:
0x81: {  	(tag) =	ssettag $0x2  }
0x82: {  	s0 =	rddreg [dreg:$0x0];
	s2 =	stileid.u32  }
0x83: {  	s1 =	rddreg [dreg:$0x1];
	p0 =	sne.s32 s2, $0x0  }
0x84: {  	s3 =	rddreg [dreg:$0x2];
	[bflag:$0x3] =	sbarrier.arrive $0xFFFF;
	s2 =	simm.s32 @!p0 $0x1C02  }
0x85: {  	[timem:s3], [sflag:s2] =	dma.local @!p0 [hbm:s0], s1  }
0x86: {  	s0 =	simm.s32 @!p0 $0x2  }
0x87: {  	_ =	swait.ge @!p0 [sflag:s0], s1  }
0x88: {  	s1 =	ssub.s32 @!p0 $0x0, s1;
	[sflag:s0] =	ssyncset.done @!p0 $0x0  }
0x89: {  	[sflag:s0] =	ssyncadd.s32 @!p0 s1  }
0x8a: {  	[bflag:$0x3] =	sbarrier.arrive $0xFFFF  }
0x8b: {  	_ =	shalt  }

// kernel: kernel.7.cloned.1.call-start
scs
__scs_entry_jumppad:
0x0: {  	(pc) =	sbr.rel $0x88, $3  }
0x1: {  	(tag) =	ssettag $0x0;
	lr =	simm.s32 $0x1  }
0x2: {  	[smem:$0x3F95] =	sst lr;
	_ =	strace $0xD0000000  }
0x3: {  	_ = 	snop  }
0x4: {  	_ = 	snop  }
0x5: {  	_ = 	snop  }
0x6: {  	_ = 	snop  }
0x7: {  	_ = 	snop  }
__scs_overlays_trampoline_lowered:
0x8: {  	[smem:$0x3FA4] =	sst s0  }
0x9: {  	[smem:$0x3FA5] =	sst s1  }
0xa: {  	[smem:$0x3FA6] =	sst s2  }
0xb: {  	[smem:$0x3FA7] =	sst s3  }
0xc: {  	[smem:$0x3FA8] =	sst s4  }
0xd: {  	[smem:$0x3FA9] =	sst s5  }
0xe: {  	[smem:$0x3FAA] =	sst s6  }
0xf: {  	[smem:$0x3FAB] =	sst s7  }
0x10: {  	[smem:$0x3FAC] =	sst s8  }
0x11: {  	[smem:$0x3FAD] =	sst s9;
	s0 =	simm.s32 @!p0 $0x0  }
0x12: {  	s1 =	sld [smem:$0x3F93];
	s0 =	simm.s32 @p0 $0x1  }
0x13: {  	[smem:$0x3FAE] =	sst s0;
	s0 =	simm.s32 @!p1 $0x0  }
0x14: {  	s2 =	sld [smem:$0x3F92];
	s0 =	simm.s32 @p1 $0x1  }
0x15: {  	[smem:$0x3FAF] =	sst s0;
	s0 =	simm.s32 @!p2 $0x0  }
0x16: {  	s3 =	sld [smem:$0x3FDB];
	s0 =	simm.s32 @p2 $0x1  }
0x17: {  	s4 =	simm.s32 $0x1BF5;
	[smem:$0x3FB1] =	sst s0  }
0x18: {  	s0 =	sld [smem:$0x3F94];
	_ =	swait.ge [sflag:s4], $0x0  }
0x19: {  	s7 =	sld [smem:$0x3F95]  }
0x1a: {  	s8 =	sadd.s32 $0xFFFFE003, lr  }
0x1b: {  	s9 =	sadd.s32 $0xFFFFFEF7, lr;
	s5 =	simm.s32 $0xFFFFFFFF;
	p2 =	slt.u32 s8, $0xFFFFF086  }
0x1c: {  	p1 =	slt.u32 s9, $0xF7A;
	s5 =	simm.s32 @!p2 $0x0  }
0x1d: {  	s5 =	simm.s32 @p1 $0x1;
	p0 =	seq.s32 s7, s2  }
0x1e: {  	s7 =	smul.u32 @!p0 $0xF7A, s2;
	p2 =	seq.s32 @!p0 s5, $0x0  }
0x1f: {  	s9 =	smul.u32 $0xF7A, s1;
	s8 =	simm.s32 @!p0 $0x1BF5;
	p2 =	por !p2, p0  }
0x20: {  	[sflag:s8] =	ssyncset.s32 @!p0 $0xFFFFF086;
	s6 =	sadd.s32 @!p0 s3, s7;
	s7 =	simm.s32 @!p0 $0x108  }
0x21: {  	s3 =	sadd.s32 s3, s9;
	s6 =	sadd.s32 @!p0 $0x88, s6;
	s7 =	simm.s32 @p2 $0x1082  }
0x22: {  	[simem:s7], [sflag:s8] =	dma.local @!p0 [hbm:s6], $0xF7A  }
0x23: {  	s9 =	sor.u32 $0xD0000000, s2;
	s6 =	simm.s32 $0x108;
	_ =	swait.ge @!p0 [sflag:s8], $0x0  }
0x24: {  	s3 =	sadd.s32 $0x88, s3;
	s6 =	simm.s32 @!p1 $0x1082;
	[sflag:s4] =	ssyncset.s32 $0xFFFFF086  }
0x25: {  	[simem:s6], [sflag:s4] =	dma.local [hbm:s3], $0xF7A  }
0x26: {  	[smem:$0x3F95] =	sst s1;
	(tag) =	ssettag s2;
	_ =	strace s9  }
0x27: {  	s1 =	sld [smem:$0x3FA5]  }
0x28: {  	s2 =	sld [smem:$0x3FA6]  }
0x29: {  	s4 =	sld [smem:$0x3FA8]  }
0x2a: {  	p0 =	seq.s32 s5, $0x0;
	s5 =	sld [smem:$0x3FA9]  }
0x2b: {  	s6 =	sld [smem:$0x3FAA]  }
0x2c: {  	s7 =	sld [smem:$0x3FAB]  }
0x2d: {  	s3 =	simm.s32 $0x108;
	s8 =	sld [smem:$0x3FAC]  }
0x2e: {  	s3 =	simm.s32 @!p0 $0x1082;
	s9 =	sld [smem:$0x3FAD]  }
0x2f: {  	lr =	sadd.s32 s0, s3;
	s0 =	sld [smem:$0x3FA4]  }
0x30: {  	s3 =	sld [smem:$0x3FA7]  }
0x31: {  	[smem:$0x3FB0] =	sst s10  }
0x32: {  	s10 =	sld [smem:$0x3FAE];
	_ =	sdelay $0x3  }
0x33: {  	p0 =	seq.s32 s10, $0x1;
	s10 =	sld [smem:$0x3FB0];
	_ =	sdelay $0x3  }
0x34: {  	[smem:$0x3FB0] =	sst s10  }
0x35: {  	s10 =	sld [smem:$0x3FAF];
	_ =	sdelay $0x3  }
0x36: {  	p1 =	seq.s32 s10, $0x1;
	s10 =	sld [smem:$0x3FB0];
	_ =	sdelay $0x3  }
0x37: {  	[smem:$0x3FB0] =	sst s10  }
0x38: {  	s10 =	sld [smem:$0x3FB1]  }
0x39: {  	_ = 	snop;
	(pc) =	sbr.ind lr, $3  }
0x3a: {  	_ = 	snop  }
0x3b: {  	_ = 	snop  }
0x3c: {  	p2 =	seq.s32 s10, $0x1;
	s10 =	sld [smem:$0x3FB0]  }
0x3d: {  	_ =	shalt  }
0x3e: {  	_ =	shalt  }
0x3f: {  	_ =	shalt  }
0x40: {  	_ =	shalt  }
0x41: {  	_ =	shalt  }
0x42: {  	_ =	shalt  }
0x43: {  	_ =	shalt  }
0x44: {  	_ =	shalt  }
0x45: {  	_ =	shalt  }
0x46: {  	_ =	shalt  }
0x47: {  	_ =	shalt  }
0x48: {  	_ =	shalt  }
0x49: {  	_ =	shalt  }
0x4a: {  	_ =	shalt  }
0x4b: {  	_ =	shalt  }
0x4c: {  	_ =	shalt  }
0x4d: {  	_ =	shalt  }
0x4e: {  	_ =	shalt  }
0x4f: {  	_ =	shalt  }
0x50: {  	_ =	shalt  }
0x51: {  	_ =	shalt  }
0x52: {  	_ =	shalt  }
0x53: {  	_ =	shalt  }
0x54: {  	_ =	shalt  }
0x55: {  	_ =	shalt  }
0x56: {  	_ =	shalt  }
0x57: {  	_ =	shalt  }
0x58: {  	_ =	shalt  }
0x59: {  	_ =	shalt  }
0x5a: {  	_ =	shalt  }
0x5b: {  	_ =	shalt  }
0x5c: {  	_ =	shalt  }
0x5d: {  	_ =	shalt  }
0x5e: {  	_ =	shalt  }
0x5f: {  	_ =	shalt  }
0x60: {  	_ =	shalt  }
0x61: {  	_ =	shalt  }
0x62: {  	_ =	shalt  }
0x63: {  	_ =	shalt  }
0x64: {  	_ =	shalt  }
0x65: {  	_ =	shalt  }
0x66: {  	_ =	shalt  }
0x67: {  	_ =	shalt  }
0x68: {  	_ =	shalt  }
0x69: {  	_ =	shalt  }
0x6a: {  	_ =	shalt  }
0x6b: {  	_ =	shalt  }
0x6c: {  	_ =	shalt  }
0x6d: {  	_ =	shalt  }
0x6e: {  	_ =	shalt  }
0x6f: {  	_ =	shalt  }
0x70: {  	_ =	shalt  }
0x71: {  	_ =	shalt  }
0x72: {  	_ =	shalt  }
0x73: {  	_ =	shalt  }
0x74: {  	_ =	shalt  }
0x75: {  	_ =	shalt  }
0x76: {  	_ =	shalt  }
0x77: {  	_ =	shalt  }
0x78: {  	_ =	shalt  }
0x79: {  	_ =	shalt  }
0x7a: {  	_ =	shalt  }
0x7b: {  	_ =	shalt  }
0x7c: {  	_ =	shalt  }
0x7d: {  	_ =	shalt  }
0x7e: {  	_ =	shalt  }
0x7f: {  	_ =	shalt  }
0x80: {  	_ =	shalt  }
0x81: {  	_ =	shalt  }
0x82: {  	_ =	shalt  }
0x83: {  	_ =	shalt  }
0x84: {  	_ =	shalt  }
0x85: {  	_ =	shalt  }
0x86: {  	_ =	shalt  }
0x87: {  	_ =	shalt  }
.Lfunc_end0:
.L_simem_size_0:
called_computation_lowered:
.L_overlay_start_0:
0x88: {  	s2 =	sld [smem:$0x3FD9]  }
0x89: {  	s3 =	sld [smem:$0x3FFE];
	_ =	sdelay $0x1  }
0x8a: {  	s1 =	srdreg.scid  }
0x8b: {  	s0 =	sand.u32 $0x1, s1  }
0x8c: {  	s18 =	sshll.u32 s0, $0xA;
	s2 =	sadd.s32 s3, s2  }
0x8d: {  	s2 =	sadd.s32 s2, s18  }
0x8e: {  	[smem:$0x3FBC] =	sst s2  }
0x8f: {  	_ = 	snop  }
0x90: {  	s2 =	sld [smem:$0x3FC9]  }
0x91: {  	s19 =	sld [smem:$0x3FC8]  }
0x92: {  	s4 =	sld [smem:$0x3FD0];
	(tm) =	ssettm $0x1  }
0x93: {  	s5 =	sld [smem:$0x3FFB];
	_ =	sdelay $0x3  }
0x94: {  	_ =	strace s5  }
0x95: {  	s5 =	sld [smem:$0x3FFC];
	_ =	sdelay $0x3  }
0x96: {  	_ =	strace s5  }
0x97: {  	s5 =	sld [smem:$0x3FFD];
	_ =	sdelay $0x3  }
0x98: {  	_ =	strace s5  }
0x99: {  	_ =	strace $0x8FFFFFFF  }
0x9a: {  	s20 =	sld [smem:$0x3FDB];
	_ =	sdelay $0x1  }
0x9b: {  	s6 =	simm.s32 $_scs_section_size  }
0x9c: {  	s7 =	simm.s32 $_size__tile_overlayer_lowered;
	s8 =	simm.s32 $_tile_overlayer_lowered  }
0x9d: {  	s23 =	simm.s32 $0x1BFF;
	s22 =	sshll.u32 s8, $0x1;
	s5 =	sadd.s32 s6, s20  }
0x9e: {  	s9 =	simm.s32 $0x0;
	s21 =	sshll.u32 s7, $0x1;
	s7 =	sadd.s32 s22, s5  }
0x9f: {  	[timem:s9], [sflag:s23] =	dma.local [hbm:s7], s21  }
0xa0: {  	_ =	swait.ge [sflag:s23], s21  }
0xa1: {  	s6 =	ssub.s32 $0x0, s21;
	[sflag:s23] =	ssyncset.done $0x0  }
0xa2: {  	[sflag:s23] =	ssyncadd.s32 s6;
	_ =	sdelay $0x1  }
0xa3: {  	s24 =	simm.s32 $0x1B8B  }
0xa4: {  	_ =	swait.ge [sflag:s24], $0x1  }
0xa5: {  	[sflag:s24] =	ssyncset.done $0x0  }
0xa6: {  	s25 =	simm.s32 $0x1B8E;
	[sflag:s24] =	ssyncadd.s32 $0xFFFFFFFF  }
0xa7: {  	s26 =	simm.s32 $execute0_lowered;
	[smem:$0x3FD2] =	sst s25  }
0xa8: {  	s6 =	sshll.u32 s26, $0x1;
	_ =	strace $0x80000046;
	[dreg:$0x1] =	wrdreg $0xFFFFFFFF  }
0xa9: {  	s28 =	simm.s32 $_size_execute0_lowered;
	s5 =	sadd.s32 s5, s6;
	[dreg:$0x0] =	wrdreg $0x0  }
0xaa: {  	s6 =	sshll.u32 s28, $0x1;
	[dreg:$0x2] =	wrdreg s5  }
0xab: {  	[dreg:$0x3] =	wrdreg s6  }
0xac: {  	[dreg:$0x4] =	wrdreg $0xC0  }
0xad: {  	_ =	task [dreg:s9], $0x5FFFF  }
0xae: {  	[dreg:$0x1] =	wrdreg $0xFFFFFFFF  }
0xaf: {  	[dreg:$0x0] =	wrdreg $0x60  }
0xb0: {  	[dreg:$0x2] =	wrdreg s2  }
0xb1: {  	[dreg:$0x3] =	wrdreg s19  }
0xb2: {  	[dreg:$0x4] =	wrdreg s4  }
0xb3: {  	[dreg:$0x5] =	wrdreg $0x9  }
0xb4: {  	_ =	task.clear_ibuf [dreg:s9], $0x6FFFF;
	_ =	strace $0x90000046  }
0xb5: {  	s29 =	simm.s32 $0x9;
	_ =	strace $0x80000048  }
0xb6: {  	_ =	swait.ge [sflag:s29], $0x1  }
0xb7: {  	[sflag:s29] =	ssyncadd.s32 $0xFFFFFFFF  }
0xb8: {  	_ =	strace $0x90000048  }
0xb9: {  	_ =	sfence  }
0xba: {  	s30 =	sld [smem:$0x0];
	_ =	sdelay $0x2  }
0xbb: {  	s31 =	sshll.u32 s1, $0xD;
	s1 =	sshrl.u32 s1, $0x2  }
0xbc: {  	s3 =	sand.u32 $0x4000, s31;
	s1 =	sadd.s32 s1, s30  }
0xbd: {  	s0 =	sor.u32 s3, s0;
	s1 =	sshll.u32 s1, $0x11  }
0xbe: {  	s0 =	sor.u32 s1, s0  }
0xbf: {  	s0 =	sadd.s32 $0x8F2B, s0  }
0xc0: {  	[sflag:s0] =	ssyncadd.remote.s32 $0x1  }
0xc1: {  	_ =	sfence.sel $0xFFFF  }
0xc2: {  	[dreg:$0x0] =	wrdreg $0xFFFFFFFF;
	(pc) =	sbr.abs _section_cstart, $3  }
0xc3: {  	[dreg:$0x1] =	wrdreg $0xFFFFFFFF  }
0xc4: {  	_ =	task.clear_ibuf [dreg:s9], $0x2FFFF;
	_ =	strace $0x9FFFFFFF  }
0xc5: {  	(tm) =	ssettm $0x7FFFFFFF  }
tec
execute0_lowered:
.L_overlay_start_1:
0x0: {  	(tag) =	ssettag $0x1  }
0x1: {  	s0 =	rddreg [dreg:$0x0]  }
0x2: {  	s2 =	rddreg [dreg:$0x1];
	s3 =	srdreg.scid  }
0x3: {  	s5 =	rddreg [dreg:$0x2];
	s1 =	stileid.u32  }
0x4: {  	s26 =	simm.s32 $0x880;
	s9 =	simm.s32 $0x1080;
	s10 =	simm.s32 $0x1880  }
0x5: {  	s11 =	simm.s32 $0x2080;
	s12 =	simm.s32 $0x2880;
	s13 =	simm.s32 $0x3080  }
0x6: {  	s14 =	simm.s32 $0x3880;
	s15 =	simm.s32 $0x4080;
	s16 =	simm.s32 $0x4880  }
0x7: {  	s17 =	simm.s32 $0x5080;
	s18 =	simm.s32 $0x5880;
	s19 =	simm.s32 $0x6080  }
0x8: {  	s20 =	simm.s32 $0x6880;
	s21 =	simm.s32 $0x7080;
	s22 =	simm.s32 $0x7880  }
0x9: {  	s23 =	simm.s32 $0x8080;
	s28 =	simm.s32 $0xA080;
	s29 =	simm.s32 $0xA880  }
0xa: {  	s30 =	simm.s32 $0xB080;
	s31 =	simm.s32 $0xB880;
	s4 =	sand.u32 $0x1, s3  }
0xb: {  	s6 =	sshll.u32 s1, $0x4;
	s3 =	simm.s32 $0x0;
	s7 =	sshll.u32 s4, $0x3  }
0xc: {  	s4 =	ssub.s32 $0x2, s4;
	[smem:$0x7FF] =	sst s3;
	s6 =	sor.u32 s7, s6  }
0xd: {  	s24 =	sshrl.u32 s4, $0x1;
	_ =	strace $0x80000047;
	[dreg:$0x6] =	wrdreg s26  }
0xe: {  	s26 =	simm.s32 $0x9880;
	s8 =	smul.u32 $0x300, s6;
	s7 =	ssub.s32 s4, s24  }
0xf: {  	s0 =	sadd.s32 s0, s6;
	s4 =	sadd.s32 $0x100, s2;
	s24 =	simm.s32 $0x8880  }
0x10: {  	v2 =	vlaneseq.u32;
	[dreg:$0x4] =	wrdreg s0;
	s6 =	smax.u32 s7, $0x1;
	s7 =	simm.s32 $0x2  }
0x11: {  	vm0 =	vmmov $0xffff;
	v1 =	vshrl.u32 v2, $0x3;
	s0 =	simm.s32 $0x1;
	s25 =	sadd.s32 s5, s8;
	s5 =	sadd.s32 $0x200, s2  }
0x12: {  	v0 =	vand.u32 $0x7, v2;
	v2 =	vor.u32 $0x8, v2;
	v1 =	vmul.u32 $0x8, v1;
	s8 =	simm.s32 $0x80;
	[dreg:$0x5] =	wrdreg s25;
	s25 =	simm.s32 $0x9080  }
.LBB2_1:
0x13: {  	s1 =	rddreg [dreg:$0x4]  }
0x14: {  	[tilespmem:s3], [sflag:$0x2] =	stream.linear.gather [hbm4b:s1+s3], $0x40, $0x38;
	[tilespmem:$0xC080] =	vst v63  }
0x15: {  	_ =	swait.ge [sflag:s7], $0x40  }
0x16: {  	[sflag:s7] =	ssyncset.done $0x0  }
0x17: {  	[sflag:s7] =	ssyncadd.s32 $0xFFFFFFC0  }
0x18: {  	v3 =	vld [tilespmem:$0x0];
	_ =	sdelay $0x4  }
0x19: {  	v4 =	vshrl.u32 v3, $0x3  }
0x1a: {  	v4 =	vmul.u32 $0x30, v4  }
0x1b: {  	v3 =	vand.u32 $0x7, v3  }
0x1c: {  	v3 =	vor.u32 v3, v4  }
0x1d: {  	v4 =	vperm.xlane v3, v0;
	_ =	sdelay $0x1  }
0x1e: {  	v4 =	vadd.s32 v1, v4;
	_ =	sdelay $0x3  }
0x1f: {  	v3 =	vperm.xlane v3, v2  }
0x20: {  	[tilespmem:s8], [sflag:$0x1] =	stream.indirect_vreg.gather [hbm4b:s2+s3], $0x80, v4, vm0, $0xb8;
	[tilespmem:$0xC080] =	vst v63  }
0x21: {  	s1 =	rddreg [dreg:$0x6];
	v3 =	vadd.s32 v1, v3  }
0x22: {  	[tilespmem:s1], [sflag:$0x1] =	stream.indirect_vreg.gather [hbm4b:s4+s3], $0x80, v4, vm0, $0xb8;
	[tilespmem:$0xC080] =	vst v63  }
0x23: {  	_ = 	snop  }
0x24: {  	[tilespmem:s9], [sflag:$0x1] =	stream.indirect_vreg.gather [hbm4b:s5+s3], $0x80, v4, vm0, $0xb8;
	[tilespmem:$0xC080] =	vst v63  }
0x25: {  	_ = 	snop  }
0x26: {  	[tilespmem:s10], [sflag:$0x1] =	stream.indirect_vreg.gather [hbm4b:s2+s3], $0x80, v3, vm0, $0xb8;
	[tilespmem:$0xC080] =	vst v63  }
0x27: {  	_ = 	snop  }
0x28: {  	[tilespmem:s11], [sflag:$0x1] =	stream.indirect_vreg.gather [hbm4b:s4+s3], $0x80, v3, vm0, $0xb8;
	[tilespmem:$0xC080] =	vst v63  }
0x29: {  	_ = 	snop  }
0x2a: {  	[tilespmem:s12], [sflag:$0x1] =	stream.indirect_vreg.gather [hbm4b:s5+s3], $0x80, v3, vm0, $0xb8;
	[tilespmem:$0xC080] =	vst v63  }
0x2b: {  	v3 =	vld [tilespmem:$0x10];
	_ =	sdelay $0x4  }
0x2c: {  	v61 =	vshrl.u32 v3, $0x3  }
0x2d: {  	v4 =	vmul.u32 $0x30, v61  }
0x2e: {  	v3 =	vand.u32 $0x7, v3  }
0x2f: {  	v3 =	vor.u32 v3, v4  }
0x30: {  	v4 =	vperm.xlane v3, v0;
	_ =	sdelay $0x1  }
0x31: {  	v4 =	vadd.s32 v1, v4;
	_ =	sdelay $0x3  }
0x32: {  	v3 =	vperm.xlane v3, v2  }
0x33: {  	[tilespmem:s13], [sflag:$0x1] =	stream.indirect_vreg.gather [hbm4b:s2+s3], $0x80, v4, vm0, $0xb8;
	[tilespmem:$0xC080] =	vst v63  }
0x34: {  	v3 =	vadd.s32 v1, v3  }
0x35: {  	[tilespmem:s14], [sflag:$0x1] =	stream.indirect_vreg.gather [hbm4b:s4+s3], $0x80, v4, vm0, $0xb8;
	[tilespmem:$0xC080] =	vst v63  }
0x36: {  	_ = 	snop  }
0x37: {  	[tilespmem:s15], [sflag:$0x1] =	stream.indirect_vreg.gather [hbm4b:s5+s3], $0x80, v4, vm0, $0xb8;
	[tilespmem:$0xC080] =	vst v63  }
0x38: {  	_ = 	snop  }
0x39: {  	[tilespmem:s16], [sflag:$0x1] =	stream.indirect_vreg.gather [hbm4b:s2+s3], $0x80, v3, vm0, $0xb8;
	[tilespmem:$0xC080] =	vst v63  }
0x3a: {  	_ = 	snop  }
0x3b: {  	[tilespmem:s17], [sflag:$0x1] =	stream.indirect_vreg.gather [hbm4b:s4+s3], $0x80, v3, vm0, $0xb8;
	[tilespmem:$0xC080] =	vst v63  }
0x3c: {  	_ = 	snop  }
0x3d: {  	[tilespmem:s18], [sflag:$0x1] =	stream.indirect_vreg.gather [hbm4b:s5+s3], $0x80, v3, vm0, $0xb8;
	[tilespmem:$0xC080] =	vst v63  }
0x3e: {  	v3 =	vld [tilespmem:$0x20];
	_ =	sdelay $0x4  }
0x3f: {  	v62 =	vshrl.u32 v3, $0x3  }
0x40: {  	v4 =	vmul.u32 $0x30, v62  }
0x41: {  	v3 =	vand.u32 $0x7, v3  }
0x42: {  	v3 =	vor.u32 v3, v4  }
0x43: {  	v4 =	vperm.xlane v3, v0;
	_ =	sdelay $0x1  }
0x44: {  	v4 =	vadd.s32 v1, v4;
	_ =	sdelay $0x3  }
0x45: {  	v3 =	vperm.xlane v3, v2  }
0x46: {  	[tilespmem:s19], [sflag:$0x1] =	stream.indirect_vreg.gather [hbm4b:s2+s3], $0x80, v4, vm0, $0xb8;
	[tilespmem:$0xC080] =	vst v63  }
0x47: {  	v3 =	vadd.s32 v1, v3  }
0x48: {  	[tilespmem:s20], [sflag:$0x1] =	stream.indirect_vreg.gather [hbm4b:s4+s3], $0x80, v4, vm0, $0xb8;
	[tilespmem:$0xC080] =	vst v63  }
0x49: {  	_ = 	snop  }
0x4a: {  	[tilespmem:s21], [sflag:$0x1] =	stream.indirect_vreg.gather [hbm4b:s5+s3], $0x80, v4, vm0, $0xb8;
	[tilespmem:$0xC080] =	vst v63  }
0x4b: {  	_ = 	snop  }
0x4c: {  	[tilespmem:s22], [sflag:$0x1] =	stream.indirect_vreg.gather [hbm4b:s2+s3], $0x80, v3, vm0, $0xb8;
	[tilespmem:$0xC080] =	vst v63  }
0x4d: {  	_ = 	snop  }
0x4e: {  	[tilespmem:s23], [sflag:$0x1] =	stream.indirect_vreg.gather [hbm4b:s4+s3], $0x80, v3, vm0, $0xb8;
	[tilespmem:$0xC080] =	vst v63  }
0x4f: {  	_ = 	snop  }
0x50: {  	[tilespmem:s24], [sflag:$0x1] =	stream.indirect_vreg.gather [hbm4b:s5+s3], $0x80, v3, vm0, $0xb8;
	[tilespmem:$0xC080] =	vst v63  }
0x51: {  	v3 =	vld [tilespmem:$0x30];
	_ =	sdelay $0x4  }
0x52: {  	v63 =	vshrl.u32 v3, $0x3  }
0x53: {  	v4 =	vmul.u32 $0x30, v63  }
0x54: {  	v3 =	vand.u32 $0x7, v3  }
0x55: {  	v3 =	vor.u32 v3, v4  }
0x56: {  	v4 =	vperm.xlane v3, v0;
	_ =	sdelay $0x1  }
0x57: {  	v4 =	vadd.s32 v1, v4;
	_ =	sdelay $0x3  }
0x58: {  	v3 =	vperm.xlane v3, v2  }
0x59: {  	[tilespmem:s25], [sflag:$0x1] =	stream.indirect_vreg.gather [hbm4b:s2+s3], $0x80, v4, vm0, $0xb8;
	[tilespmem:$0xC080] =	vst v63  }
0x5a: {  	v3 =	vadd.s32 v1, v3  }
0x5b: {  	[tilespmem:s26], [sflag:$0x1] =	stream.indirect_vreg.gather [hbm4b:s4+s3], $0x80, v4, vm0, $0xb8;
	[tilespmem:$0xC080] =	vst v63  }
0x5c: {  	_ = 	snop  }
0x5d: {  	[tilespmem:s28], [sflag:$0x1] =	stream.indirect_vreg.gather [hbm4b:s5+s3], $0x80, v4, vm0, $0xb8;
	[tilespmem:$0xC080] =	vst v63  }
0x5e: {  	_ = 	snop  }
0x5f: {  	[tilespmem:s29], [sflag:$0x1] =	stream.indirect_vreg.gather [hbm4b:s2+s3], $0x80, v3, vm0, $0xb8;
	[tilespmem:$0xC080] =	vst v63  }
0x60: {  	_ = 	snop  }
0x61: {  	[tilespmem:s30], [sflag:$0x1] =	stream.indirect_vreg.gather [hbm4b:s4+s3], $0x80, v3, vm0, $0xb8;
	[tilespmem:$0xC080] =	vst v63  }
0x62: {  	_ = 	snop  }
0x63: {  	[tilespmem:s31], [sflag:$0x1] =	stream.indirect_vreg.gather [hbm4b:s5+s3], $0x80, v3, vm0, $0xb8;
	[tilespmem:$0xC080] =	vst v63  }
0x64: {  	_ =	swait.ge [sflag:s0], $0xC000  }
0x65: {  	p0 =	sne.s32 s6, $0x1;
	[sflag:s0] =	ssyncset.done $0x0  }
.Ltmp0:
0x66: {  	s1 =	rddreg [dreg:$0x5];
	[sflag:s0] =	ssyncadd.s32 $0xFFFF4000;
	(pc) =	sbr.rel @p0 .LBB2_1-.Ltmp0, $4  }
0x67: {  	[hbm4b:s1+s3] =	stream.linear.scatter [tilespmem:s8], [sflag:$0x2], $0xC000, $0x38;
	[tilespmem:$0xC080] =	vst v63  }
0x68: {  	_ =	swait.ge [sflag:s7], $0xC000  }
0x69: {  	[sflag:s7] =	ssyncset.done $0x0  }
0x6a: {  	s6 =	sadd.s32 $0xFFFFFFFF, s6;
	[sflag:s7] =	ssyncadd.s32 $0xFFFF4000  }
0x6b: {  	_ =	sfence.sel $0x180000  }
0x6c: {  	[bflag:$0x0] =	sbarrier.arrive $0xFFFF  }
0x6d: {  	_ =	strace $0x90000047  }
0x6e: {  	s0 =	stileid.u32;
	[bflag:$0x2] =	sbarrier.arrive $0xFFFF  }
0x6f: {  	p0 =	sne.s32 s0, $0x0;
	s0 =	rddreg [dreg:$0x3]  }
0x70: {  	s0 =	sadd.s32 @!p0 $0x100000, s0  }
0x71: {  	[sflag:s0] =	ssyncadd.tile.s32 @!p0 $0x1;
	_ =	shalt  }
.Lfunc_end2:
_tile_overlayer_lowered:
.L_overlay_start_2:
0x72: {  	(tag) =	ssettag $0x2  }
0x73: {  	s0 =	rddreg [dreg:$0x0];
	s2 =	stileid.u32  }
0x74: {  	s1 =	rddreg [dreg:$0x1];
	p0 =	sne.s32 s2, $0x0  }
0x75: {  	s3 =	rddreg [dreg:$0x2];
	[bflag:$0x3] =	sbarrier.arrive $0xFFFF;
	s2 =	simm.s32 @!p0 $0x1C02  }
0x76: {  	[timem:s3], [sflag:s2] =	dma.local @!p0 [hbm:s0], s1  }
0x77: {  	s0 =	simm.s32 @!p0 $0x2  }
0x78: {  	_ =	swait.ge @!p0 [sflag:s0], s1  }
0x79: {  	s1 =	ssub.s32 @!p0 $0x0, s1;
	[sflag:s0] =	ssyncset.done @!p0 $0x0  }
0x7a: {  	[sflag:s0] =	ssyncadd.s32 @!p0 s1  }
0x7b: {  	[bflag:$0x3] =	sbarrier.arrive $0xFFFF  }
0x7c: {  	_ =	shalt  }

</sc_bundles>
